<compile_context>
chip_gen: v7x
topology: tpu7x:2x2x1
jax: 0.10.2.dev20260603
libtpu: 0.0.44.dev20260713+nightly
codegen_flags: <defaults>
</compile_context>

<pallas_src>
import functools

import jax
import jax.numpy as jnp
from jax import lax
from jax.experimental import pallas as pl
from jax.experimental.pallas import tpu as pltpu
from jax.experimental.pallas import tpu_sc as plsc

_NC = 2
_NS = 16
_L = 16

_WPC = 12
_NWIN = _NC * _WPC
_MYSC_CAP = 4864
_WIN_CAP = 640
_CHUNK = 128
_WROWS = _WIN_CAP // _CHUNK


def _pad_to(idx, m, n):
    pad = _NS * m - idx.shape[0]
    return jnp.concatenate(
        [idx, jnp.full((pad,), n, jnp.int32)]).reshape(_NS, m)


def _prefill(ref, cap, vec):
    def body(i, carry):
        ref[pl.ds(i * _L, _L)] = vec
        return carry

    lax.fori_loop(0, cap // _L, body, 0)


@functools.lru_cache(maxsize=None)
def _make_kernel(n, m):
    ws = n // _NWIN
    wslice = ws // _NS
    half = n // _NC
    nv = m // _L
    mesh = plsc.VectorSubcoreMesh(
        core_axis_name="c", subcore_axis_name="s",
        num_cores=_NC, num_subcores=_NS)

    @functools.partial(
        pl.kernel,
        out_type=jax.ShapeDtypeStruct((n,), jnp.float32),
        mesh=mesh,
        compiler_params=pltpu.CompilerParams(needs_layout_passes=False),
        scratch_types=[
            pltpu.VMEM_SHARED((ws + _L,), jnp.float32),
            pltpu.VMEM((m,), jnp.int32),
            pltpu.VMEM((m,), jnp.int32),
            pltpu.VMEM((_MYSC_CAP,), jnp.int32),
            pltpu.VMEM((_MYSC_CAP,), jnp.int32),
            pltpu.VMEM((_WROWS, _CHUNK), jnp.int32),
            pltpu.VMEM((_WROWS, _CHUNK), jnp.int32),
            pltpu.VMEM((_CHUNK,), jnp.float32),
            pltpu.VMEM((_CHUNK,), jnp.float32),
            pltpu.SemaphoreType.DMA,
            pltpu.SemaphoreType.DMA,
        ],
    )
    def run(x_hbm, salt_hbm, pepper_hbm, out_hbm, win_sp, salt_v, pepper_v,
            mys_v, myp_v, wsalt_v, wpep_v, ones_v, zeros_v, sem, sem2):
        cid = lax.axis_index("c")
        sid = lax.axis_index("s")
        lo = cid * half

        pltpu.sync_copy(salt_hbm.at[sid], salt_v)
        pltpu.sync_copy(pepper_hbm.at[sid], pepper_v)

        sentinel = jnp.full((_L,), n, jnp.int32)
        garbage = jnp.full((_L,), ws, jnp.int32) + sid
        _prefill(mys_v, _MYSC_CAP, sentinel)
        _prefill(myp_v, _MYSC_CAP, sentinel)
        _prefill(ones_v, _CHUNK, jnp.full((_L,), 1.0, jnp.float32))
        _prefill(zeros_v, _CHUNK, jnp.full((_L,), 0.0, jnp.float32))

        def _prefill2d(ref, vec):
            def body(t, carry):
                ref[t >> 3, pl.ds((t & 7) * _L, _L)] = vec
                return carry

            lax.fori_loop(0, _WROWS * (_CHUNK // _L), body, 0)

        lane = lax.iota(jnp.int32, _L)

        def compact(src_v, n_vregs, dst_store, base, span, keep, fill, cap):

            def body(i, off):
                v = src_v[pl.ds(i * _L, _L)]
                rel = v - base
                msk = (rel >= 0) & (rel < span)
                mi = jnp.where(msk, 1, 0).astype(jnp.int32)
                cs = plsc.cumsum(mi)
                ranks = cs - 1
                dest = jnp.where(msk, off + ranks, cap - _L + lane)
                val = jnp.where(msk, v if keep else rel, fill)
                dst_store(dest, val)
                return off + cs[_L - 1]

            return lax.fori_loop(0, n_vregs, body, jnp.int32(0))

        def store1d(dst_v):
            return lambda dest, val: plsc.store_scatter(dst_v, [dest], val)

        def store2d(dst_v):
            return lambda dest, val: plsc.store_scatter(
                dst_v, [dest >> 7, dest & (_CHUNK - 1)], val)

        n_mys = compact(salt_v, nv, store1d(mys_v), lo, half, True,
                        sentinel, _MYSC_CAP)
        n_myp = compact(pepper_v, nv, store1d(myp_v), lo, half, True,
                        sentinel, _MYSC_CAP)

        def compact_window(src_v, cnt, dst_v, wlo):
            return compact(src_v, (cnt + _L - 1) // _L, store2d(dst_v),
                           wlo, ws, False, garbage, _WIN_CAP)

        def window_pass(j, carry):
            wlo = lo + j * ws
            load_cp = pltpu.make_async_copy(
                x_hbm.at[pl.ds(wlo + sid * wslice, wslice)],
                win_sp.at[pl.ds(sid * wslice, wslice)], sem)
            load_cp.start()

            _prefill2d(wsalt_v, garbage)
            _prefill2d(wpep_v, garbage)
            compact_window(mys_v, n_mys, wsalt_v, wlo)
            compact_window(myp_v, n_myp, wpep_v, wlo)
            load_cp.wait()
            plsc.subcore_barrier()

            cps = []
            for r in range(_WROWS):
                cps.append(pltpu.make_async_copy(
                    ones_v, win_sp.at[wsalt_v.at[r]], sem2))
                cps.append(pltpu.make_async_copy(
                    zeros_v, win_sp.at[wpep_v.at[r]], sem2))
            for cp in cps:
                cp.start()
            for cp in cps:
                cp.wait()
            plsc.subcore_barrier()

            pltpu.sync_copy(
                win_sp.at[pl.ds(sid * wslice, wslice)],
                out_hbm.at[pl.ds(wlo + sid * wslice, wslice)])
            return carry

        lax.fori_loop(0, _WPC, window_pass, 0)

    return run


def kernel(x, salt_idx, pepper_idx):
    n = x.size
    flat = x.reshape(n)
    per = -(-salt_idx.shape[0] // (_NS * _L)) * _L
    salt_p = _pad_to(salt_idx, per, n)
    pepper_p = _pad_to(pepper_idx, per, n)
    out = _make_kernel(n, per)(flat, salt_p, pepper_p)
    return out.reshape(x.shape)

# --- scband reference (transcript-rebuilt; emitter-appended) ---
"""Pipeline reference for scband-random-salt-pepper-18717467475987 (READ-ONLY COPY).

The authoritative reference and input builder live on the scoring server;
editing this copy changes nothing except your own understanding.
"""

import jax, jax.numpy as jnp
import numpy as np

AMOUNT = 0.01
S_VS_P = 0.5
SHAPE = (64, 3, 384, 384)


def setup_inputs(seed: int = 0) -> dict:
    key = jax.random.key(seed)
    k1, k2 = jax.random.split(key)
    x = jax.random.uniform(k1, SHAPE, dtype=jnp.float32)
    numel = int(np.prod(SHAPE))
    num_salt = int(AMOUNT * S_VS_P * numel)
    num_pepper = int(AMOUNT * (1.0 - S_VS_P) * numel)
    # torch.randperm equivalent: random permutation of all flat indices,
    # first num_salt -> salt, next num_pepper -> pepper (disjoint sets).
    perm = jax.random.permutation(k2, numel)
    salt_idx = perm[:num_salt].astype(jnp.int32)
    pepper_idx = perm[num_salt:num_salt + num_pepper].astype(jnp.int32)
    return {"x": x, "salt_idx": salt_idx, "pepper_idx": pepper_idx}


def reference(x, salt_idx, pepper_idx):
    # p=1.0 => noise branch always taken (deterministic).
    flat = x.reshape(-1)
    flat = flat.at[salt_idx].set(1.0)
    flat = flat.at[pepper_idx].set(0.0)
    return flat.reshape(x.shape)

if __name__ == "__main__":
    import jax
    _d = setup_inputs()
    print(jax.jit(kernel)(*tuple(_d.values())))

</pallas_src>

<mosaic_0001>
#map = affine_map<(d0, d1) -> (0)>
#map1 = affine_map<(d0, d1) -> (0, 0)>
module attributes {stable_mosaic.version = 14 : i64} {
  func.func @run(%arg0: i32, %arg1: i32, %arg2: memref<28311552xf32, #tpu.memory_space<hbm>>, %arg3: memref<16x8848xi32, #tpu.memory_space<hbm>>, %arg4: memref<16x8848xi32, #tpu.memory_space<hbm>>, %arg5: memref<28311552xf32, #tpu.memory_space<hbm>>, %arg6: memref<1179664xf32, #tpu.memory_space<vmem_shared>>, %arg7: memref<8848xi32, #tpu.memory_space<vmem>>, %arg8: memref<8848xi32, #tpu.memory_space<vmem>>, %arg9: memref<4864xi32, #tpu.memory_space<vmem>>, %arg10: memref<4864xi32, #tpu.memory_space<vmem>>, %arg11: memref<5x128xi32, #tpu.memory_space<vmem>>, %arg12: memref<5x128xi32, #tpu.memory_space<vmem>>, %arg13: memref<128xf32, #tpu.memory_space<vmem>>, %arg14: memref<128xf32, #tpu.memory_space<vmem>>, %arg15: memref<!tpu.dma_semaphore, #tpu.memory_space<semaphore_mem>>, %arg16: memref<!tpu.dma_semaphore, #tpu.memory_space<semaphore_mem>>) attributes {dimension_semantics = [#tpu.dimension_semantics<core_parallel>, #tpu.dimension_semantics<subcore_parallel>], iteration_bounds = array<i64: 2, 16>, scalar_prefetch = 0 : i64, scratch_operands = 11 : i64, tpu.core_type = #tpu.core_type<sc_vector_subcore>, window_params = [{transform_indices = #map}, {transform_indices = #map1}, {transform_indices = #map1}, {transform_indices = #map}]} {
    %mul3A = arith.constant 14155776 : i32
    %mul3A_0 = arith.muli %arg0, %mul3A : i32
    "tpu.region"() ({
      %run_scoped3A = tpu.sem_alloc : memref<!tpu.dma_semaphore, #tpu.memory_space<semaphore_mem>>
      %dma_start3A = arith.constant 0 : i32
      %dma_start3A_52 = tpu.memref_slice %arg3[%arg1, %dma_start3A] : memref<16x8848xi32, #tpu.memory_space<hbm>> -> memref<1x8848xi32, #tpu.memory_space<hbm>>
      %dma_start3A_53 = tpu.memref_squeeze %dma_start3A_52 : memref<1x8848xi32, #tpu.memory_space<hbm>> -> memref<8848xi32, #tpu.memory_space<hbm>>
      %dma_start3A_54 = arith.constant 0 : i32
      %dma_start3A_55 = tpu.memref_slice %arg3[%arg1, %dma_start3A_54] : memref<16x8848xi32, #tpu.memory_space<hbm>> -> memref<1x8848xi32, #tpu.memory_space<hbm>>
      %dma_start3A_56 = tpu.memref_squeeze %dma_start3A_55 : memref<1x8848xi32, #tpu.memory_space<hbm>> -> memref<8848xi32, #tpu.memory_space<hbm>>
      tpu.enqueue_dma source(%dma_start3A_56 : memref<8848xi32, #tpu.memory_space<hbm>>) target(%arg7 : memref<8848xi32, #tpu.memory_space<vmem>>) target_semaphore(%run_scoped3A : memref<!tpu.dma_semaphore, #tpu.memory_space<semaphore_mem>>)
      %dma_wait3A = arith.constant 0 : i32
      %dma_wait3A_57 = tpu.memref_slice %arg3[%arg1, %dma_wait3A] : memref<16x8848xi32, #tpu.memory_space<hbm>> -> memref<1x8848xi32, #tpu.memory_space<hbm>>
      %dma_wait3A_58 = tpu.memref_squeeze %dma_wait3A_57 : memref<1x8848xi32, #tpu.memory_space<hbm>> -> memref<8848xi32, #tpu.memory_space<hbm>>
      %dma_wait3A_59 = arith.constant 0 : i32
      %dma_wait3A_60 = tpu.memref_slice %arg3[%arg1, %dma_wait3A_59] : memref<16x8848xi32, #tpu.memory_space<hbm>> -> memref<1x8848xi32, #tpu.memory_space<hbm>>
      %dma_wait3A_61 = tpu.memref_squeeze %dma_wait3A_60 : memref<1x8848xi32, #tpu.memory_space<hbm>> -> memref<8848xi32, #tpu.memory_space<hbm>>
      tpu.wait_dma2 semaphore(%run_scoped3A : memref<!tpu.dma_semaphore, #tpu.memory_space<semaphore_mem>>) src(%dma_wait3A_61 : memref<8848xi32, #tpu.memory_space<hbm>>) dst(%arg7 : memref<8848xi32, #tpu.memory_space<vmem>>)
      tpu.yield
    }) : () -> ()
    "tpu.region"() ({
      %run_scoped3A = tpu.sem_alloc : memref<!tpu.dma_semaphore, #tpu.memory_space<semaphore_mem>>
      %dma_start3A = arith.constant 0 : i32
      %dma_start3A_52 = tpu.memref_slice %arg4[%arg1, %dma_start3A] : memref<16x8848xi32, #tpu.memory_space<hbm>> -> memref<1x8848xi32, #tpu.memory_space<hbm>>
      %dma_start3A_53 = tpu.memref_squeeze %dma_start3A_52 : memref<1x8848xi32, #tpu.memory_space<hbm>> -> memref<8848xi32, #tpu.memory_space<hbm>>
      %dma_start3A_54 = arith.constant 0 : i32
      %dma_start3A_55 = tpu.memref_slice %arg4[%arg1, %dma_start3A_54] : memref<16x8848xi32, #tpu.memory_space<hbm>> -> memref<1x8848xi32, #tpu.memory_space<hbm>>
      %dma_start3A_56 = tpu.memref_squeeze %dma_start3A_55 : memref<1x8848xi32, #tpu.memory_space<hbm>> -> memref<8848xi32, #tpu.memory_space<hbm>>
      tpu.enqueue_dma source(%dma_start3A_56 : memref<8848xi32, #tpu.memory_space<hbm>>) target(%arg8 : memref<8848xi32, #tpu.memory_space<vmem>>) target_semaphore(%run_scoped3A : memref<!tpu.dma_semaphore, #tpu.memory_space<semaphore_mem>>)
      %dma_wait3A = arith.constant 0 : i32
      %dma_wait3A_57 = tpu.memref_slice %arg4[%arg1, %dma_wait3A] : memref<16x8848xi32, #tpu.memory_space<hbm>> -> memref<1x8848xi32, #tpu.memory_space<hbm>>
      %dma_wait3A_58 = tpu.memref_squeeze %dma_wait3A_57 : memref<1x8848xi32, #tpu.memory_space<hbm>> -> memref<8848xi32, #tpu.memory_space<hbm>>
      %dma_wait3A_59 = arith.constant 0 : i32
      %dma_wait3A_60 = tpu.memref_slice %arg4[%arg1, %dma_wait3A_59] : memref<16x8848xi32, #tpu.memory_space<hbm>> -> memref<1x8848xi32, #tpu.memory_space<hbm>>
      %dma_wait3A_61 = tpu.memref_squeeze %dma_wait3A_60 : memref<1x8848xi32, #tpu.memory_space<hbm>> -> memref<8848xi32, #tpu.memory_space<hbm>>
      tpu.wait_dma2 semaphore(%run_scoped3A : memref<!tpu.dma_semaphore, #tpu.memory_space<semaphore_mem>>) src(%dma_wait3A_61 : memref<8848xi32, #tpu.memory_space<hbm>>) dst(%arg8 : memref<8848xi32, #tpu.memory_space<vmem>>)
      tpu.yield
    }) : () -> ()
    %broadcast_in_dim3A = arith.constant 28311552 : i32
    %broadcast_in_dim3A_1 = vector.broadcast %broadcast_in_dim3A : i32 to vector<16xi32>
    %broadcast_in_dim3A_2 = arith.constant 1179648 : i32
    %broadcast_in_dim3A_3 = vector.broadcast %broadcast_in_dim3A_2 : i32 to vector<16xi32>
    %add3A = vector.broadcast %arg1 : i32 to vector<16xi32>
    %add3A_4 = arith.addi %broadcast_in_dim3A_3, %add3A : vector<16xi32>
    %scan3A = arith.constant 0 : i32
    %scan3A_5 = arith.constant 0 : i32
    %scan3A_6 = arith.constant 304 : i32
    %scan3A_7 = arith.addi %scan3A_5, %scan3A_6 : i32
    %scan3A_8 = arith.constant 1 : i32
    scf.for %scan3A_52 = %scan3A_5 to %scan3A_7 step %scan3A_8  : i32 {
      %mul3A_53 = arith.constant 16 : i32
      %mul3A_54 = arith.muli %scan3A_52, %mul3A_53 : i32
      %swap3A = arith.index_cast %mul3A_54 : i32 to index
      %swap3A_55 = tpu.vector_load %arg9[%swap3A] {strides = array<i32>} : memref<4864xi32, #tpu.memory_space<vmem>>, vector<16xi32>,
      tpu.vector_store %arg9[%swap3A], %broadcast_in_dim3A_1 {strides = array<i32>} : memref<4864xi32, #tpu.memory_space<vmem>>, vector<16xi32>,
    }
    %scan3A_9 = arith.constant 304 : i32
    %scan3A_10 = arith.constant 0 : i32
    %scan3A_11 = arith.constant 0 : i32
    %scan3A_12 = arith.constant 304 : i32
    %scan3A_13 = arith.addi %scan3A_11, %scan3A_12 : i32
    %scan3A_14 = arith.constant 1 : i32
    scf.for %scan3A_52 = %scan3A_11 to %scan3A_13 step %scan3A_14  : i32 {
      %mul3A_53 = arith.constant 16 : i32
      %mul3A_54 = arith.muli %scan3A_52, %mul3A_53 : i32
      %swap3A = arith.index_cast %mul3A_54 : i32 to index
      %swap3A_55 = tpu.vector_load %arg10[%swap3A] {strides = array<i32>} : memref<4864xi32, #tpu.memory_space<vmem>>, vector<16xi32>,
      tpu.vector_store %arg10[%swap3A], %broadcast_in_dim3A_1 {strides = array<i32>} : memref<4864xi32, #tpu.memory_space<vmem>>, vector<16xi32>,
    }
    %scan3A_15 = arith.constant 304 : i32
    %broadcast_in_dim3A_16 = arith.constant 1.000000e+00 : f32
    %broadcast_in_dim3A_17 = vector.broadcast %broadcast_in_dim3A_16 : f32 to vector<16xf32>
    %scan3A_18 = arith.constant 0 : i32
    %scan3A_19 = arith.constant 0 : i32
    %scan3A_20 = arith.constant 8 : i32
    %scan3A_21 = arith.addi %scan3A_19, %scan3A_20 : i32
    %scan3A_22 = arith.constant 1 : i32
    scf.for %scan3A_52 = %scan3A_19 to %scan3A_21 step %scan3A_22  : i32 {
      %mul3A_53 = arith.constant 16 : i32
      %mul3A_54 = arith.muli %scan3A_52, %mul3A_53 : i32
      %swap3A = arith.index_cast %mul3A_54 : i32 to index
      %swap3A_55 = tpu.vector_load %arg13[%swap3A] {strides = array<i32>} : memref<128xf32, #tpu.memory_space<vmem>>, vector<16xf32>,
      tpu.vector_store %arg13[%swap3A], %broadcast_in_dim3A_17 {strides = array<i32>} : memref<128xf32, #tpu.memory_space<vmem>>, vector<16xf32>,
    }
    %scan3A_23 = arith.constant 8 : i32
    %broadcast_in_dim3A_24 = arith.constant 0.000000e+00 : f32
    %broadcast_in_dim3A_25 = vector.broadcast %broadcast_in_dim3A_24 : f32 to vector<16xf32>
    %scan3A_26 = arith.constant 0 : i32
    %scan3A_27 = arith.constant 0 : i32
    %scan3A_28 = arith.constant 8 : i32
    %scan3A_29 = arith.addi %scan3A_27, %scan3A_28 : i32
    %scan3A_30 = arith.constant 1 : i32
    scf.for %scan3A_52 = %scan3A_27 to %scan3A_29 step %scan3A_30  : i32 {
      %mul3A_53 = arith.constant 16 : i32
      %mul3A_54 = arith.muli %scan3A_52, %mul3A_53 : i32
      %swap3A = arith.index_cast %mul3A_54 : i32 to index
      %swap3A_55 = tpu.vector_load %arg14[%swap3A] {strides = array<i32>} : memref<128xf32, #tpu.memory_space<vmem>>, vector<16xf32>,
      tpu.vector_store %arg14[%swap3A], %broadcast_in_dim3A_25 {strides = array<i32>} : memref<128xf32, #tpu.memory_space<vmem>>, vector<16xf32>,
    }
    %scan3A_31 = arith.constant 8 : i32
    %iota3A = tpu.iota {dimensions = array<i32: 0>} : vector<16xi32>
    %scan3A_32 = arith.constant 0 : i32
    %scan3A_33 = arith.constant 0 : i32
    %scan3A_34 = arith.constant 553 : i32
    %scan3A_35 = arith.addi %scan3A_33, %scan3A_34 : i32
    %scan3A_36 = arith.constant 1 : i32
    %scan3A_37 = scf.for %scan3A_52 = %scan3A_33 to %scan3A_35 step %scan3A_36 iter_args(%scan3A_53 = %scan3A_32) -> (i32)  : i32 {
      %mul3A_54 = arith.constant 16 : i32
      %mul3A_55 = arith.muli %scan3A_52, %mul3A_54 : i32
      %get3A = arith.index_cast %mul3A_55 : i32 to index
      %get3A_56 = tpu.vector_load %arg7[%get3A] {strides = array<i32>} : memref<8848xi32, #tpu.memory_space<vmem>>, vector<16xi32>,
      %sub3A = vector.broadcast %mul3A_0 : i32 to vector<16xi32>
      %sub3A_57 = arith.subi %get3A_56, %sub3A : vector<16xi32>
      %ge3A = arith.constant 0 : i32
      %ge3A_58 = vector.broadcast %ge3A : i32 to vector<16xi32>
      %ge3A_59 = arith.cmpi sge, %sub3A_57, %ge3A_58 : vector<16xi32>
      %lt3A = arith.constant 14155776 : i32
      %lt3A_60 = vector.broadcast %lt3A : i32 to vector<16xi32>
      %lt3A_61 = arith.cmpi slt, %sub3A_57, %lt3A_60 : vector<16xi32>
      %and3A = arith.andi %ge3A_59, %lt3A_61 : vector<16xi1>
      %jit3A = arith.constant 1 : i32
      %jit3A_62 = arith.constant 0 : i32
      %broadcast_in_dim3A_63 = vector.broadcast %jit3A : i32 to vector<16xi32>
      %broadcast_in_dim3A_64 = vector.broadcast %jit3A_62 : i32 to vector<16xi32>
      %select_n3A = arith.select %and3A, %broadcast_in_dim3A_63, %broadcast_in_dim3A_64 : vector<16xi1>, vector<16xi32>
      %broadcast_in_dim3A_65 = arith.constant true
      %broadcast_in_dim3A_66 = vector.broadcast %broadcast_in_dim3A_65 : i1 to vector<16xi1>
      %masked_cumsum3A = tpu.scan <sum>, %select_n3A masked %broadcast_in_dim3A_66 : vector<16xi32>, vector<16xi1> -> vector<16xi32>
      %sub3A_67 = arith.constant 1 : i32
      %sub3A_68 = vector.broadcast %sub3A_67 : i32 to vector<16xi32>
      %sub3A_69 = arith.subi %masked_cumsum3A, %sub3A_68 : vector<16xi32>
      %add3A_70 = vector.broadcast %scan3A_53 : i32 to vector<16xi32>
      %add3A_71 = arith.addi %add3A_70, %sub3A_69 : vector<16xi32>
      %add3A_72 = arith.constant 4848 : i32
      %add3A_73 = vector.broadcast %add3A_72 : i32 to vector<16xi32>
      %add3A_74 = arith.addi %add3A_73, %iota3A : vector<16xi32>
      %select_n3A_75 = arith.select %and3A, %add3A_71, %add3A_74 : vector<16xi1>, vector<16xi32>
      %select_n3A_76 = arith.select %and3A, %get3A_56, %broadcast_in_dim3A_1 : vector<16xi1>, vector<16xi32>
      tpu.vector_store_idx %arg9[%select_n3A_75], %select_n3A_76 : memref<4864xi32, #tpu.memory_space<vmem>>[vector<16xi32>], vector<16xi32>,
      %slice3A = vector.extract_strided_slice %masked_cumsum3A {offsets = [15], sizes = [1], strides = [1]} : vector<16xi32> to vector<1xi32>
      %squeeze3A = vector.extract %slice3A[0] : i32 from vector<1xi32>
      %add3A_77 = arith.addi %scan3A_53, %squeeze3A : i32
      scf.yield %add3A_77 : i32
    }
    %scan3A_38 = arith.constant 553 : i32
    %scan3A_39 = arith.constant 0 : i32
    %scan3A_40 = arith.constant 0 : i32
    %scan3A_41 = arith.constant 553 : i32
    %scan3A_42 = arith.addi %scan3A_40, %scan3A_41 : i32
    %scan3A_43 = arith.constant 1 : i32
    %scan3A_44 = scf.for %scan3A_52 = %scan3A_40 to %scan3A_42 step %scan3A_43 iter_args(%scan3A_53 = %scan3A_39) -> (i32)  : i32 {
      %mul3A_54 = arith.constant 16 : i32
      %mul3A_55 = arith.muli %scan3A_52, %mul3A_54 : i32
      %get3A = arith.index_cast %mul3A_55 : i32 to index
      %get3A_56 = tpu.vector_load %arg8[%get3A] {strides = array<i32>} : memref<8848xi32, #tpu.memory_space<vmem>>, vector<16xi32>,
      %sub3A = vector.broadcast %mul3A_0 : i32 to vector<16xi32>
      %sub3A_57 = arith.subi %get3A_56, %sub3A : vector<16xi32>
      %ge3A = arith.constant 0 : i32
      %ge3A_58 = vector.broadcast %ge3A : i32 to vector<16xi32>
      %ge3A_59 = arith.cmpi sge, %sub3A_57, %ge3A_58 : vector<16xi32>
      %lt3A = arith.constant 14155776 : i32
      %lt3A_60 = vector.broadcast %lt3A : i32 to vector<16xi32>
      %lt3A_61 = arith.cmpi slt, %sub3A_57, %lt3A_60 : vector<16xi32>
      %and3A = arith.andi %ge3A_59, %lt3A_61 : vector<16xi1>
      %jit3A = arith.constant 1 : i32
      %jit3A_62 = arith.constant 0 : i32
      %broadcast_in_dim3A_63 = vector.broadcast %jit3A : i32 to vector<16xi32>
      %broadcast_in_dim3A_64 = vector.broadcast %jit3A_62 : i32 to vector<16xi32>
      %select_n3A = arith.select %and3A, %broadcast_in_dim3A_63, %broadcast_in_dim3A_64 : vector<16xi1>, vector<16xi32>
      %broadcast_in_dim3A_65 = arith.constant true
      %broadcast_in_dim3A_66 = vector.broadcast %broadcast_in_dim3A_65 : i1 to vector<16xi1>
      %masked_cumsum3A = tpu.scan <sum>, %select_n3A masked %broadcast_in_dim3A_66 : vector<16xi32>, vector<16xi1> -> vector<16xi32>
      %sub3A_67 = arith.constant 1 : i32
      %sub3A_68 = vector.broadcast %sub3A_67 : i32 to vector<16xi32>
      %sub3A_69 = arith.subi %masked_cumsum3A, %sub3A_68 : vector<16xi32>
      %add3A_70 = vector.broadcast %scan3A_53 : i32 to vector<16xi32>
      %add3A_71 = arith.addi %add3A_70, %sub3A_69 : vector<16xi32>
      %add3A_72 = arith.constant 4848 : i32
      %add3A_73 = vector.broadcast %add3A_72 : i32 to vector<16xi32>
      %add3A_74 = arith.addi %add3A_73, %iota3A : vector<16xi32>
      %select_n3A_75 = arith.select %and3A, %add3A_71, %add3A_74 : vector<16xi1>, vector<16xi32>
      %select_n3A_76 = arith.select %and3A, %get3A_56, %broadcast_in_dim3A_1 : vector<16xi1>, vector<16xi32>
      tpu.vector_store_idx %arg10[%select_n3A_75], %select_n3A_76 : memref<4864xi32, #tpu.memory_space<vmem>>[vector<16xi32>], vector<16xi32>,
      %slice3A = vector.extract_strided_slice %masked_cumsum3A {offsets = [15], sizes = [1], strides = [1]} : vector<16xi32> to vector<1xi32>
      %squeeze3A = vector.extract %slice3A[0] : i32 from vector<1xi32>
      %add3A_77 = arith.addi %scan3A_53, %squeeze3A : i32
      scf.yield %add3A_77 : i32
    }
    %scan3A_45 = arith.constant 553 : i32
    %scan3A_46 = arith.constant 0 : i32
    %scan3A_47 = arith.constant 0 : i32
    %scan3A_48 = arith.constant 12 : i32
    %scan3A_49 = arith.addi %scan3A_47, %scan3A_48 : i32
    %scan3A_50 = arith.constant 1 : i32
    scf.for %scan3A_52 = %scan3A_47 to %scan3A_49 step %scan3A_50  : i32 {
      %mul3A_53 = arith.constant 1179648 : i32
      %mul3A_54 = arith.muli %scan3A_52, %mul3A_53 : i32
      %add3A_55 = arith.addi %mul3A_0, %mul3A_54 : i32
      %mul3A_56 = arith.constant 73728 : i32
      %mul3A_57 = arith.muli %arg1, %mul3A_56 : i32
      %add3A_58 = arith.addi %add3A_55, %mul3A_57 : i32
      %mul3A_59 = arith.constant 73728 : i32
      %mul3A_60 = arith.muli %arg1, %mul3A_59 : i32
      %dma_start3A = tpu.memref_slice %arg6[%mul3A_60] : memref<1179664xf32, #tpu.memory_space<vmem_shared>> -> memref<73728xf32, #tpu.memory_space<vmem_shared>>
      %dma_start3A_61 = tpu.memref_slice %arg2[%add3A_58] : memref<28311552xf32, #tpu.memory_space<hbm>> -> memref<73728xf32, #tpu.memory_space<hbm>>
      tpu.enqueue_dma source(%dma_start3A_61 : memref<73728xf32, #tpu.memory_space<hbm>>) target(%dma_start3A : memref<73728xf32, #tpu.memory_space<vmem_shared>>) target_semaphore(%arg15 : memref<!tpu.dma_semaphore, #tpu.memory_space<semaphore_mem>>)
      %scan3A_62 = arith.constant 0 : i32
      %scan3A_63 = arith.constant 0 : i32
      %scan3A_64 = arith.constant 40 : i32
      %scan3A_65 = arith.addi %scan3A_63, %scan3A_64 : i32
      %scan3A_66 = arith.constant 1 : i32
      scf.for %scan3A_272 = %scan3A_63 to %scan3A_65 step %scan3A_66  : i32 {
        %shift_right_arithmetic3A = arith.constant 3 : i32
        %shift_right_arithmetic3A_273 = arith.shrsi %scan3A_272, %shift_right_arithmetic3A : i32
        %and3A_274 = arith.constant 7 : i32
        %and3A_275 = arith.andi %scan3A_272, %and3A_274 : i32
        %mul3A_276 = arith.constant 16 : i32
        %mul3A_277 = arith.muli %and3A_275, %mul3A_276 : i32
        %swap3A = arith.index_cast %shift_right_arithmetic3A_273 : i32 to index
        %swap3A_278 = arith.index_cast %mul3A_277 : i32 to index
        %swap3A_279 = tpu.vector_load %arg11[%swap3A, %swap3A_278] {strides = array<i32>} : memref<5x128xi32, #tpu.memory_space<vmem>>, vector<16xi32>,
        tpu.vector_store %arg11[%swap3A, %swap3A_278], %add3A_4 {strides = array<i32>} : memref<5x128xi32, #tpu.memory_space<vmem>>, vector<16xi32>,
      }
      %scan3A_67 = arith.constant 40 : i32
      %scan3A_68 = arith.constant 0 : i32
      %scan3A_69 = arith.constant 0 : i32
      %scan3A_70 = arith.constant 40 : i32
      %scan3A_71 = arith.addi %scan3A_69, %scan3A_70 : i32
      %scan3A_72 = arith.constant 1 : i32
      scf.for %scan3A_272 = %scan3A_69 to %scan3A_71 step %scan3A_72  : i32 {
        %shift_right_arithmetic3A = arith.constant 3 : i32
        %shift_right_arithmetic3A_273 = arith.shrsi %scan3A_272, %shift_right_arithmetic3A : i32
        %and3A_274 = arith.constant 7 : i32
        %and3A_275 = arith.andi %scan3A_272, %and3A_274 : i32
        %mul3A_276 = arith.constant 16 : i32
        %mul3A_277 = arith.muli %and3A_275, %mul3A_276 : i32
        %swap3A = arith.index_cast %shift_right_arithmetic3A_273 : i32 to index
        %swap3A_278 = arith.index_cast %mul3A_277 : i32 to index
        %swap3A_279 = tpu.vector_load %arg12[%swap3A, %swap3A_278] {strides = array<i32>} : memref<5x128xi32, #tpu.memory_space<vmem>>, vector<16xi32>,
        tpu.vector_store %arg12[%swap3A, %swap3A_278], %add3A_4 {strides = array<i32>} : memref<5x128xi32, #tpu.memory_space<vmem>>, vector<16xi32>,
      }
      %scan3A_73 = arith.constant 40 : i32
      %add3A_74 = arith.constant 16 : i32
      %add3A_75 = arith.addi %scan3A_37, %add3A_74 : i32
      %sub3A = arith.constant 1 : i32
      %sub3A_76 = arith.subi %add3A_75, %sub3A : i32
      %jit3A = arith.constant 16 : i32
      %div3A = arith.divsi %sub3A_76, %jit3A : i32
      %sign3A = arith.constant 0 : i32
      %sign3A_77 = arith.cmpi sgt, %sub3A_76, %sign3A : i32
      %sign3A_78 = arith.extui %sign3A_77 : i1 to i32
      %sign3A_79 = arith.constant 0 : i32
      %sign3A_80 = arith.cmpi slt, %sub3A_76, %sign3A_79 : i32
      %sign3A_81 = arith.extui %sign3A_80 : i1 to i32
      %sign3A_82 = arith.subi %sign3A_78, %sign3A_81 : i32
      %sign3A_83 = arith.constant 0 : i32
      %sign3A_84 = arith.cmpi sgt, %jit3A, %sign3A_83 : i32
      %sign3A_85 = arith.extui %sign3A_84 : i1 to i32
      %sign3A_86 = arith.constant 0 : i32
      %sign3A_87 = arith.cmpi slt, %jit3A, %sign3A_86 : i32
      %sign3A_88 = arith.extui %sign3A_87 : i1 to i32
      %sign3A_89 = arith.subi %sign3A_85, %sign3A_88 : i32
      %ne3A = arith.cmpi ne, %sign3A_82, %sign3A_89 : i32
      %rem3A = arith.remsi %sub3A_76, %jit3A : i32
      %ne3A_90 = arith.constant 0 : i32
      %ne3A_91 = arith.cmpi ne, %rem3A, %ne3A_90 : i32
      %and3A = arith.andi %ne3A, %ne3A_91 : i1
      %sub3A_92 = arith.constant 1 : i32
      %sub3A_93 = arith.subi %div3A, %sub3A_92 : i32
      %select_n3A = arith.select %and3A, %sub3A_93, %div3A : i32
      %while3A = arith.constant 0 : i32
      %while3A_94 = arith.constant 0 : i32
      %while3A_95 = arith.subi %select_n3A, %while3A : i32
      %while3A_96 = arith.addi %while3A, %while3A_95 : i32
      %while3A_97 = arith.constant 1 : i32
      %while3A_98 = arith.divsi %while3A_95, %while3A_97 : i32
      %while3A_99 = arith.muli %while3A_98, %while3A_97 : i32
      %while3A_100 = arith.addi %while3A, %while3A_99 : i32
      %while3A_101 = arith.constant 1 : i32
      %while3A_102 = scf.for %while3A_272 = %while3A to %while3A_100 step %while3A_101 iter_args(%while3A_273 = %while3A_94) -> (i32)  : i32 {
        %mul3A_274 = arith.constant 16 : i32
        %mul3A_275 = arith.muli %while3A_272, %mul3A_274 : i32
        %get3A = arith.index_cast %mul3A_275 : i32 to index
        %get3A_276 = tpu.vector_load %arg9[%get3A] {strides = array<i32>} : memref<4864xi32, #tpu.memory_space<vmem>>, vector<16xi32>,
        %sub3A_277 = vector.broadcast %add3A_55 : i32 to vector<16xi32>
        %sub3A_278 = arith.subi %get3A_276, %sub3A_277 : vector<16xi32>
        %ge3A = arith.constant 0 : i32
        %ge3A_279 = vector.broadcast %ge3A : i32 to vector<16xi32>
        %ge3A_280 = arith.cmpi sge, %sub3A_278, %ge3A_279 : vector<16xi32>
        %lt3A = arith.constant 1179648 : i32
        %lt3A_281 = vector.broadcast %lt3A : i32 to vector<16xi32>
        %lt3A_282 = arith.cmpi slt, %sub3A_278, %lt3A_281 : vector<16xi32>
        %and3A_283 = arith.andi %ge3A_280, %lt3A_282 : vector<16xi1>
        %jit3A_284 = arith.constant 1 : i32
        %jit3A_285 = arith.constant 0 : i32
        %broadcast_in_dim3A_286 = vector.broadcast %jit3A_284 : i32 to vector<16xi32>
        %broadcast_in_dim3A_287 = vector.broadcast %jit3A_285 : i32 to vector<16xi32>
        %select_n3A_288 = arith.select %and3A_283, %broadcast_in_dim3A_286, %broadcast_in_dim3A_287 : vector<16xi1>, vector<16xi32>
        %broadcast_in_dim3A_289 = arith.constant true
        %broadcast_in_dim3A_290 = vector.broadcast %broadcast_in_dim3A_289 : i1 to vector<16xi1>
        %masked_cumsum3A = tpu.scan <sum>, %select_n3A_288 masked %broadcast_in_dim3A_290 : vector<16xi32>, vector<16xi1> -> vector<16xi32>
        %sub3A_291 = arith.constant 1 : i32
        %sub3A_292 = vector.broadcast %sub3A_291 : i32 to vector<16xi32>
        %sub3A_293 = arith.subi %masked_cumsum3A, %sub3A_292 : vector<16xi32>
        %add3A_294 = vector.broadcast %while3A_273 : i32 to vector<16xi32>
        %add3A_295 = arith.addi %add3A_294, %sub3A_293 : vector<16xi32>
        %add3A_296 = arith.constant 624 : i32
        %add3A_297 = vector.broadcast %add3A_296 : i32 to vector<16xi32>
        %add3A_298 = arith.addi %add3A_297, %iota3A : vector<16xi32>
        %select_n3A_299 = arith.select %and3A_283, %add3A_295, %add3A_298 : vector<16xi1>, vector<16xi32>
        %select_n3A_300 = arith.select %and3A_283, %sub3A_278, %add3A_4 : vector<16xi1>, vector<16xi32>
        %shift_right_arithmetic3A = arith.constant 7 : i32
        %shift_right_arithmetic3A_301 = vector.broadcast %shift_right_arithmetic3A : i32 to vector<16xi32>
        %shift_right_arithmetic3A_302 = arith.shrsi %select_n3A_299, %shift_right_arithmetic3A_301 : vector<16xi32>
        %and3A_303 = arith.constant 127 : i32
        %and3A_304 = vector.broadcast %and3A_303 : i32 to vector<16xi32>
        %and3A_305 = arith.andi %select_n3A_299, %and3A_304 : vector<16xi32>
        tpu.vector_store_idx %arg11[%shift_right_arithmetic3A_302, %and3A_305], %select_n3A_300 : memref<5x128xi32, #tpu.memory_space<vmem>>[vector<16xi32>, vector<16xi32>], vector<16xi32>,
        %slice3A = vector.extract_strided_slice %masked_cumsum3A {offsets = [15], sizes = [1], strides = [1]} : vector<16xi32> to vector<1xi32>
        %squeeze3A = vector.extract %slice3A[0] : i32 from vector<1xi32>
        %add3A_306 = arith.addi %while3A_273, %squeeze3A : i32
        scf.yield %add3A_306 : i32
      }
      %while3A_103 = arith.constant 1 : i32
      %while3A_104 = scf.for %while3A_272 = %while3A_100 to %while3A_96 step %while3A_103 iter_args(%while3A_273 = %while3A_102) -> (i32)  : i32 {
        %mul3A_274 = arith.constant 16 : i32
        %mul3A_275 = arith.muli %while3A_272, %mul3A_274 : i32
        %get3A = arith.index_cast %mul3A_275 : i32 to index
        %get3A_276 = tpu.vector_load %arg9[%get3A] {strides = array<i32>} : memref<4864xi32, #tpu.memory_space<vmem>>, vector<16xi32>,
        %sub3A_277 = vector.broadcast %add3A_55 : i32 to vector<16xi32>
        %sub3A_278 = arith.subi %get3A_276, %sub3A_277 : vector<16xi32>
        %ge3A = arith.constant 0 : i32
        %ge3A_279 = vector.broadcast %ge3A : i32 to vector<16xi32>
        %ge3A_280 = arith.cmpi sge, %sub3A_278, %ge3A_279 : vector<16xi32>
        %lt3A = arith.constant 1179648 : i32
        %lt3A_281 = vector.broadcast %lt3A : i32 to vector<16xi32>
        %lt3A_282 = arith.cmpi slt, %sub3A_278, %lt3A_281 : vector<16xi32>
        %and3A_283 = arith.andi %ge3A_280, %lt3A_282 : vector<16xi1>
        %jit3A_284 = arith.constant 1 : i32
        %jit3A_285 = arith.constant 0 : i32
        %broadcast_in_dim3A_286 = vector.broadcast %jit3A_284 : i32 to vector<16xi32>
        %broadcast_in_dim3A_287 = vector.broadcast %jit3A_285 : i32 to vector<16xi32>
        %select_n3A_288 = arith.select %and3A_283, %broadcast_in_dim3A_286, %broadcast_in_dim3A_287 : vector<16xi1>, vector<16xi32>
        %broadcast_in_dim3A_289 = arith.constant true
        %broadcast_in_dim3A_290 = vector.broadcast %broadcast_in_dim3A_289 : i1 to vector<16xi1>
        %masked_cumsum3A = tpu.scan <sum>, %select_n3A_288 masked %broadcast_in_dim3A_290 : vector<16xi32>, vector<16xi1> -> vector<16xi32>
        %sub3A_291 = arith.constant 1 : i32
        %sub3A_292 = vector.broadcast %sub3A_291 : i32 to vector<16xi32>
        %sub3A_293 = arith.subi %masked_cumsum3A, %sub3A_292 : vector<16xi32>
        %add3A_294 = vector.broadcast %while3A_273 : i32 to vector<16xi32>
        %add3A_295 = arith.addi %add3A_294, %sub3A_293 : vector<16xi32>
        %add3A_296 = arith.constant 624 : i32
        %add3A_297 = vector.broadcast %add3A_296 : i32 to vector<16xi32>
        %add3A_298 = arith.addi %add3A_297, %iota3A : vector<16xi32>
        %select_n3A_299 = arith.select %and3A_283, %add3A_295, %add3A_298 : vector<16xi1>, vector<16xi32>
        %select_n3A_300 = arith.select %and3A_283, %sub3A_278, %add3A_4 : vector<16xi1>, vector<16xi32>
        %shift_right_arithmetic3A = arith.constant 7 : i32
        %shift_right_arithmetic3A_301 = vector.broadcast %shift_right_arithmetic3A : i32 to vector<16xi32>
        %shift_right_arithmetic3A_302 = arith.shrsi %select_n3A_299, %shift_right_arithmetic3A_301 : vector<16xi32>
        %and3A_303 = arith.constant 127 : i32
        %and3A_304 = vector.broadcast %and3A_303 : i32 to vector<16xi32>
        %and3A_305 = arith.andi %select_n3A_299, %and3A_304 : vector<16xi32>
        tpu.vector_store_idx %arg11[%shift_right_arithmetic3A_302, %and3A_305], %select_n3A_300 : memref<5x128xi32, #tpu.memory_space<vmem>>[vector<16xi32>, vector<16xi32>], vector<16xi32>,
        %slice3A = vector.extract_strided_slice %masked_cumsum3A {offsets = [15], sizes = [1], strides = [1]} : vector<16xi32> to vector<1xi32>
        %squeeze3A = vector.extract %slice3A[0] : i32 from vector<1xi32>
        %add3A_306 = arith.addi %while3A_273, %squeeze3A : i32
        scf.yield %add3A_306 : i32
      }
      %add3A_105 = arith.constant 16 : i32
      %add3A_106 = arith.addi %scan3A_44, %add3A_105 : i32
      %sub3A_107 = arith.constant 1 : i32
      %sub3A_108 = arith.subi %add3A_106, %sub3A_107 : i32
      %jit3A_109 = arith.constant 16 : i32
      %div3A_110 = arith.divsi %sub3A_108, %jit3A_109 : i32
      %sign3A_111 = arith.constant 0 : i32
      %sign3A_112 = arith.cmpi sgt, %sub3A_108, %sign3A_111 : i32
      %sign3A_113 = arith.extui %sign3A_112 : i1 to i32
      %sign3A_114 = arith.constant 0 : i32
      %sign3A_115 = arith.cmpi slt, %sub3A_108, %sign3A_114 : i32
      %sign3A_116 = arith.extui %sign3A_115 : i1 to i32
      %sign3A_117 = arith.subi %sign3A_113, %sign3A_116 : i32
      %sign3A_118 = arith.constant 0 : i32
      %sign3A_119 = arith.cmpi sgt, %jit3A_109, %sign3A_118 : i32
      %sign3A_120 = arith.extui %sign3A_119 : i1 to i32
      %sign3A_121 = arith.constant 0 : i32
      %sign3A_122 = arith.cmpi slt, %jit3A_109, %sign3A_121 : i32
      %sign3A_123 = arith.extui %sign3A_122 : i1 to i32
      %sign3A_124 = arith.subi %sign3A_120, %sign3A_123 : i32
      %ne3A_125 = arith.cmpi ne, %sign3A_117, %sign3A_124 : i32
      %rem3A_126 = arith.remsi %sub3A_108, %jit3A_109 : i32
      %ne3A_127 = arith.constant 0 : i32
      %ne3A_128 = arith.cmpi ne, %rem3A_126, %ne3A_127 : i32
      %and3A_129 = arith.andi %ne3A_125, %ne3A_128 : i1
      %sub3A_130 = arith.constant 1 : i32
      %sub3A_131 = arith.subi %div3A_110, %sub3A_130 : i32
      %select_n3A_132 = arith.select %and3A_129, %sub3A_131, %div3A_110 : i32
      %while3A_133 = arith.constant 0 : i32
      %while3A_134 = arith.constant 0 : i32
      %while3A_135 = arith.subi %select_n3A_132, %while3A_133 : i32
      %while3A_136 = arith.addi %while3A_133, %while3A_135 : i32
      %while3A_137 = arith.constant 1 : i32
      %while3A_138 = arith.divsi %while3A_135, %while3A_137 : i32
      %while3A_139 = arith.muli %while3A_138, %while3A_137 : i32
      %while3A_140 = arith.addi %while3A_133, %while3A_139 : i32
      %while3A_141 = arith.constant 1 : i32
      %while3A_142 = scf.for %while3A_272 = %while3A_133 to %while3A_140 step %while3A_141 iter_args(%while3A_273 = %while3A_134) -> (i32)  : i32 {
        %mul3A_274 = arith.constant 16 : i32
        %mul3A_275 = arith.muli %while3A_272, %mul3A_274 : i32
        %get3A = arith.index_cast %mul3A_275 : i32 to index
        %get3A_276 = tpu.vector_load %arg10[%get3A] {strides = array<i32>} : memref<4864xi32, #tpu.memory_space<vmem>>, vector<16xi32>,
        %sub3A_277 = vector.broadcast %add3A_55 : i32 to vector<16xi32>
        %sub3A_278 = arith.subi %get3A_276, %sub3A_277 : vector<16xi32>
        %ge3A = arith.constant 0 : i32
        %ge3A_279 = vector.broadcast %ge3A : i32 to vector<16xi32>
        %ge3A_280 = arith.cmpi sge, %sub3A_278, %ge3A_279 : vector<16xi32>
        %lt3A = arith.constant 1179648 : i32
        %lt3A_281 = vector.broadcast %lt3A : i32 to vector<16xi32>
        %lt3A_282 = arith.cmpi slt, %sub3A_278, %lt3A_281 : vector<16xi32>
        %and3A_283 = arith.andi %ge3A_280, %lt3A_282 : vector<16xi1>
        %jit3A_284 = arith.constant 1 : i32
        %jit3A_285 = arith.constant 0 : i32
        %broadcast_in_dim3A_286 = vector.broadcast %jit3A_284 : i32 to vector<16xi32>
        %broadcast_in_dim3A_287 = vector.broadcast %jit3A_285 : i32 to vector<16xi32>
        %select_n3A_288 = arith.select %and3A_283, %broadcast_in_dim3A_286, %broadcast_in_dim3A_287 : vector<16xi1>, vector<16xi32>
        %broadcast_in_dim3A_289 = arith.constant true
        %broadcast_in_dim3A_290 = vector.broadcast %broadcast_in_dim3A_289 : i1 to vector<16xi1>
        %masked_cumsum3A = tpu.scan <sum>, %select_n3A_288 masked %broadcast_in_dim3A_290 : vector<16xi32>, vector<16xi1> -> vector<16xi32>
        %sub3A_291 = arith.constant 1 : i32
        %sub3A_292 = vector.broadcast %sub3A_291 : i32 to vector<16xi32>
        %sub3A_293 = arith.subi %masked_cumsum3A, %sub3A_292 : vector<16xi32>
        %add3A_294 = vector.broadcast %while3A_273 : i32 to vector<16xi32>
        %add3A_295 = arith.addi %add3A_294, %sub3A_293 : vector<16xi32>
        %add3A_296 = arith.constant 624 : i32
        %add3A_297 = vector.broadcast %add3A_296 : i32 to vector<16xi32>
        %add3A_298 = arith.addi %add3A_297, %iota3A : vector<16xi32>
        %select_n3A_299 = arith.select %and3A_283, %add3A_295, %add3A_298 : vector<16xi1>, vector<16xi32>
        %select_n3A_300 = arith.select %and3A_283, %sub3A_278, %add3A_4 : vector<16xi1>, vector<16xi32>
        %shift_right_arithmetic3A = arith.constant 7 : i32
        %shift_right_arithmetic3A_301 = vector.broadcast %shift_right_arithmetic3A : i32 to vector<16xi32>
        %shift_right_arithmetic3A_302 = arith.shrsi %select_n3A_299, %shift_right_arithmetic3A_301 : vector<16xi32>
        %and3A_303 = arith.constant 127 : i32
        %and3A_304 = vector.broadcast %and3A_303 : i32 to vector<16xi32>
        %and3A_305 = arith.andi %select_n3A_299, %and3A_304 : vector<16xi32>
        tpu.vector_store_idx %arg12[%shift_right_arithmetic3A_302, %and3A_305], %select_n3A_300 : memref<5x128xi32, #tpu.memory_space<vmem>>[vector<16xi32>, vector<16xi32>], vector<16xi32>,
        %slice3A = vector.extract_strided_slice %masked_cumsum3A {offsets = [15], sizes = [1], strides = [1]} : vector<16xi32> to vector<1xi32>
        %squeeze3A = vector.extract %slice3A[0] : i32 from vector<1xi32>
        %add3A_306 = arith.addi %while3A_273, %squeeze3A : i32
        scf.yield %add3A_306 : i32
      }
      %while3A_143 = arith.constant 1 : i32
      %while3A_144 = scf.for %while3A_272 = %while3A_140 to %while3A_136 step %while3A_143 iter_args(%while3A_273 = %while3A_142) -> (i32)  : i32 {
        %mul3A_274 = arith.constant 16 : i32
        %mul3A_275 = arith.muli %while3A_272, %mul3A_274 : i32
        %get3A = arith.index_cast %mul3A_275 : i32 to index
        %get3A_276 = tpu.vector_load %arg10[%get3A] {strides = array<i32>} : memref<4864xi32, #tpu.memory_space<vmem>>, vector<16xi32>,
        %sub3A_277 = vector.broadcast %add3A_55 : i32 to vector<16xi32>
        %sub3A_278 = arith.subi %get3A_276, %sub3A_277 : vector<16xi32>
        %ge3A = arith.constant 0 : i32
        %ge3A_279 = vector.broadcast %ge3A : i32 to vector<16xi32>
        %ge3A_280 = arith.cmpi sge, %sub3A_278, %ge3A_279 : vector<16xi32>
        %lt3A = arith.constant 1179648 : i32
        %lt3A_281 = vector.broadcast %lt3A : i32 to vector<16xi32>
        %lt3A_282 = arith.cmpi slt, %sub3A_278, %lt3A_281 : vector<16xi32>
        %and3A_283 = arith.andi %ge3A_280, %lt3A_282 : vector<16xi1>
        %jit3A_284 = arith.constant 1 : i32
        %jit3A_285 = arith.constant 0 : i32
        %broadcast_in_dim3A_286 = vector.broadcast %jit3A_284 : i32 to vector<16xi32>
        %broadcast_in_dim3A_287 = vector.broadcast %jit3A_285 : i32 to vector<16xi32>
        %select_n3A_288 = arith.select %and3A_283, %broadcast_in_dim3A_286, %broadcast_in_dim3A_287 : vector<16xi1>, vector<16xi32>
        %broadcast_in_dim3A_289 = arith.constant true
        %broadcast_in_dim3A_290 = vector.broadcast %broadcast_in_dim3A_289 : i1 to vector<16xi1>
        %masked_cumsum3A = tpu.scan <sum>, %select_n3A_288 masked %broadcast_in_dim3A_290 : vector<16xi32>, vector<16xi1> -> vector<16xi32>
        %sub3A_291 = arith.constant 1 : i32
        %sub3A_292 = vector.broadcast %sub3A_291 : i32 to vector<16xi32>
        %sub3A_293 = arith.subi %masked_cumsum3A, %sub3A_292 : vector<16xi32>
        %add3A_294 = vector.broadcast %while3A_273 : i32 to vector<16xi32>
        %add3A_295 = arith.addi %add3A_294, %sub3A_293 : vector<16xi32>
        %add3A_296 = arith.constant 624 : i32
        %add3A_297 = vector.broadcast %add3A_296 : i32 to vector<16xi32>
        %add3A_298 = arith.addi %add3A_297, %iota3A : vector<16xi32>
        %select_n3A_299 = arith.select %and3A_283, %add3A_295, %add3A_298 : vector<16xi1>, vector<16xi32>
        %select_n3A_300 = arith.select %and3A_283, %sub3A_278, %add3A_4 : vector<16xi1>, vector<16xi32>
        %shift_right_arithmetic3A = arith.constant 7 : i32
        %shift_right_arithmetic3A_301 = vector.broadcast %shift_right_arithmetic3A : i32 to vector<16xi32>
        %shift_right_arithmetic3A_302 = arith.shrsi %select_n3A_299, %shift_right_arithmetic3A_301 : vector<16xi32>
        %and3A_303 = arith.constant 127 : i32
        %and3A_304 = vector.broadcast %and3A_303 : i32 to vector<16xi32>
        %and3A_305 = arith.andi %select_n3A_299, %and3A_304 : vector<16xi32>
        tpu.vector_store_idx %arg12[%shift_right_arithmetic3A_302, %and3A_305], %select_n3A_300 : memref<5x128xi32, #tpu.memory_space<vmem>>[vector<16xi32>, vector<16xi32>], vector<16xi32>,
        %slice3A = vector.extract_strided_slice %masked_cumsum3A {offsets = [15], sizes = [1], strides = [1]} : vector<16xi32> to vector<1xi32>
        %squeeze3A = vector.extract %slice3A[0] : i32 from vector<1xi32>
        %add3A_306 = arith.addi %while3A_273, %squeeze3A : i32
        scf.yield %add3A_306 : i32
      }
      %dma_wait3A = tpu.memref_slice %arg6[%mul3A_60] : memref<1179664xf32, #tpu.memory_space<vmem_shared>> -> memref<73728xf32, #tpu.memory_space<vmem_shared>>
      %dma_wait3A_145 = tpu.memref_slice %arg2[%add3A_58] : memref<28311552xf32, #tpu.memory_space<hbm>> -> memref<73728xf32, #tpu.memory_space<hbm>>
      tpu.wait_dma2 semaphore(%arg15 : memref<!tpu.dma_semaphore, #tpu.memory_space<semaphore_mem>>) src(%dma_wait3A_145 : memref<73728xf32, #tpu.memory_space<hbm>>) dst(%dma_wait3A : memref<73728xf32, #tpu.memory_space<vmem_shared>>)
      %barrier3A = arith.constant 0 : index
      tpu.barrier barrier_id(%barrier3A)
      %dma_start3A_146 = arith.constant 0 : i32
      %dma_start3A_147 = arith.constant 0 : i32
      %dma_start3A_148 = tpu.memref_slice %arg11[%dma_start3A_146, %dma_start3A_147] : memref<5x128xi32, #tpu.memory_space<vmem>> -> memref<1x128xi32, #tpu.memory_space<vmem>>
      %dma_start3A_149 = tpu.memref_squeeze %dma_start3A_148 : memref<1x128xi32, #tpu.memory_space<vmem>> -> memref<128xi32, #tpu.memory_space<vmem>>
      %dma_start3A_150 = arith.constant 0 : i32
      %dma_start3A_151 = tpu.memref_slice %arg6[%dma_start3A_150] : memref<1179664xf32, #tpu.memory_space<vmem_shared>> -> memref<1179664xf32, #tpu.memory_space<vmem_shared>>
      tpu.enqueue_indirect_dma source(%arg13 : memref<128xf32, #tpu.memory_space<vmem>>) target(%dma_start3A_151 : memref<1179664xf32, #tpu.memory_space<vmem_shared>>) offsets(%dma_start3A_149 : memref<128xi32, #tpu.memory_space<vmem>>) semaphore(%arg16 : memref<!tpu.dma_semaphore, #tpu.memory_space<semaphore_mem>>)
      %dma_start3A_152 = arith.constant 0 : i32
      %dma_start3A_153 = arith.constant 0 : i32
      %dma_start3A_154 = tpu.memref_slice %arg12[%dma_start3A_152, %dma_start3A_153] : memref<5x128xi32, #tpu.memory_space<vmem>> -> memref<1x128xi32, #tpu.memory_space<vmem>>
      %dma_start3A_155 = tpu.memref_squeeze %dma_start3A_154 : memref<1x128xi32, #tpu.memory_space<vmem>> -> memref<128xi32, #tpu.memory_space<vmem>>
      %dma_start3A_156 = arith.constant 0 : i32
      %dma_start3A_157 = tpu.memref_slice %arg6[%dma_start3A_156] : memref<1179664xf32, #tpu.memory_space<vmem_shared>> -> memref<1179664xf32, #tpu.memory_space<vmem_shared>>
      tpu.enqueue_indirect_dma source(%arg14 : memref<128xf32, #tpu.memory_space<vmem>>) target(%dma_start3A_157 : memref<1179664xf32, #tpu.memory_space<vmem_shared>>) offsets(%dma_start3A_155 : memref<128xi32, #tpu.memory_space<vmem>>) semaphore(%arg16 : memref<!tpu.dma_semaphore, #tpu.memory_space<semaphore_mem>>)
      %dma_start3A_158 = arith.constant 1 : i32
      %dma_start3A_159 = arith.constant 0 : i32
      %dma_start3A_160 = tpu.memref_slice %arg11[%dma_start3A_158, %dma_start3A_159] : memref<5x128xi32, #tpu.memory_space<vmem>> -> memref<1x128xi32, #tpu.memory_space<vmem>>
      %dma_start3A_161 = tpu.memref_squeeze %dma_start3A_160 : memref<1x128xi32, #tpu.memory_space<vmem>> -> memref<128xi32, #tpu.memory_space<vmem>>
      %dma_start3A_162 = arith.constant 0 : i32
      %dma_start3A_163 = tpu.memref_slice %arg6[%dma_start3A_162] : memref<1179664xf32, #tpu.memory_space<vmem_shared>> -> memref<1179664xf32, #tpu.memory_space<vmem_shared>>
      tpu.enqueue_indirect_dma source(%arg13 : memref<128xf32, #tpu.memory_space<vmem>>) target(%dma_start3A_163 : memref<1179664xf32, #tpu.memory_space<vmem_shared>>) offsets(%dma_start3A_161 : memref<128xi32, #tpu.memory_space<vmem>>) semaphore(%arg16 : memref<!tpu.dma_semaphore, #tpu.memory_space<semaphore_mem>>)
      %dma_start3A_164 = arith.constant 1 : i32
      %dma_start3A_165 = arith.constant 0 : i32
      %dma_start3A_166 = tpu.memref_slice %arg12[%dma_start3A_164, %dma_start3A_165] : memref<5x128xi32, #tpu.memory_space<vmem>> -> memref<1x128xi32, #tpu.memory_space<vmem>>
      %dma_start3A_167 = tpu.memref_squeeze %dma_start3A_166 : memref<1x128xi32, #tpu.memory_space<vmem>> -> memref<128xi32, #tpu.memory_space<vmem>>
      %dma_start3A_168 = arith.constant 0 : i32
      %dma_start3A_169 = tpu.memref_slice %arg6[%dma_start3A_168] : memref<1179664xf32, #tpu.memory_space<vmem_shared>> -> memref<1179664xf32, #tpu.memory_space<vmem_shared>>
      tpu.enqueue_indirect_dma source(%arg14 : memref<128xf32, #tpu.memory_space<vmem>>) target(%dma_start3A_169 : memref<1179664xf32, #tpu.memory_space<vmem_shared>>) offsets(%dma_start3A_167 : memref<128xi32, #tpu.memory_space<vmem>>) semaphore(%arg16 : memref<!tpu.dma_semaphore, #tpu.memory_space<semaphore_mem>>)
      %dma_start3A_170 = arith.constant 2 : i32
      %dma_start3A_171 = arith.constant 0 : i32
      %dma_start3A_172 = tpu.memref_slice %arg11[%dma_start3A_170, %dma_start3A_171] : memref<5x128xi32, #tpu.memory_space<vmem>> -> memref<1x128xi32, #tpu.memory_space<vmem>>
      %dma_start3A_173 = tpu.memref_squeeze %dma_start3A_172 : memref<1x128xi32, #tpu.memory_space<vmem>> -> memref<128xi32, #tpu.memory_space<vmem>>
      %dma_start3A_174 = arith.constant 0 : i32
      %dma_start3A_175 = tpu.memref_slice %arg6[%dma_start3A_174] : memref<1179664xf32, #tpu.memory_space<vmem_shared>> -> memref<1179664xf32, #tpu.memory_space<vmem_shared>>
      tpu.enqueue_indirect_dma source(%arg13 : memref<128xf32, #tpu.memory_space<vmem>>) target(%dma_start3A_175 : memref<1179664xf32, #tpu.memory_space<vmem_shared>>) offsets(%dma_start3A_173 : memref<128xi32, #tpu.memory_space<vmem>>) semaphore(%arg16 : memref<!tpu.dma_semaphore, #tpu.memory_space<semaphore_mem>>)
      %dma_start3A_176 = arith.constant 2 : i32
      %dma_start3A_177 = arith.constant 0 : i32
      %dma_start3A_178 = tpu.memref_slice %arg12[%dma_start3A_176, %dma_start3A_177] : memref<5x128xi32, #tpu.memory_space<vmem>> -> memref<1x128xi32, #tpu.memory_space<vmem>>
      %dma_start3A_179 = tpu.memref_squeeze %dma_start3A_178 : memref<1x128xi32, #tpu.memory_space<vmem>> -> memref<128xi32, #tpu.memory_space<vmem>>
      %dma_start3A_180 = arith.constant 0 : i32
      %dma_start3A_181 = tpu.memref_slice %arg6[%dma_start3A_180] : memref<1179664xf32, #tpu.memory_space<vmem_shared>> -> memref<1179664xf32, #tpu.memory_space<vmem_shared>>
      tpu.enqueue_indirect_dma source(%arg14 : memref<128xf32, #tpu.memory_space<vmem>>) target(%dma_start3A_181 : memref<1179664xf32, #tpu.memory_space<vmem_shared>>) offsets(%dma_start3A_179 : memref<128xi32, #tpu.memory_space<vmem>>) semaphore(%arg16 : memref<!tpu.dma_semaphore, #tpu.memory_space<semaphore_mem>>)
      %dma_start3A_182 = arith.constant 3 : i32
      %dma_start3A_183 = arith.constant 0 : i32
      %dma_start3A_184 = tpu.memref_slice %arg11[%dma_start3A_182, %dma_start3A_183] : memref<5x128xi32, #tpu.memory_space<vmem>> -> memref<1x128xi32, #tpu.memory_space<vmem>>
      %dma_start3A_185 = tpu.memref_squeeze %dma_start3A_184 : memref<1x128xi32, #tpu.memory_space<vmem>> -> memref<128xi32, #tpu.memory_space<vmem>>
      %dma_start3A_186 = arith.constant 0 : i32
      %dma_start3A_187 = tpu.memref_slice %arg6[%dma_start3A_186] : memref<1179664xf32, #tpu.memory_space<vmem_shared>> -> memref<1179664xf32, #tpu.memory_space<vmem_shared>>
      tpu.enqueue_indirect_dma source(%arg13 : memref<128xf32, #tpu.memory_space<vmem>>) target(%dma_start3A_187 : memref<1179664xf32, #tpu.memory_space<vmem_shared>>) offsets(%dma_start3A_185 : memref<128xi32, #tpu.memory_space<vmem>>) semaphore(%arg16 : memref<!tpu.dma_semaphore, #tpu.memory_space<semaphore_mem>>)
      %dma_start3A_188 = arith.constant 3 : i32
      %dma_start3A_189 = arith.constant 0 : i32
      %dma_start3A_190 = tpu.memref_slice %arg12[%dma_start3A_188, %dma_start3A_189] : memref<5x128xi32, #tpu.memory_space<vmem>> -> memref<1x128xi32, #tpu.memory_space<vmem>>
      %dma_start3A_191 = tpu.memref_squeeze %dma_start3A_190 : memref<1x128xi32, #tpu.memory_space<vmem>> -> memref<128xi32, #tpu.memory_space<vmem>>
      %dma_start3A_192 = arith.constant 0 : i32
      %dma_start3A_193 = tpu.memref_slice %arg6[%dma_start3A_192] : memref<1179664xf32, #tpu.memory_space<vmem_shared>> -> memref<1179664xf32, #tpu.memory_space<vmem_shared>>
      tpu.enqueue_indirect_dma source(%arg14 : memref<128xf32, #tpu.memory_space<vmem>>) target(%dma_start3A_193 : memref<1179664xf32, #tpu.memory_space<vmem_shared>>) offsets(%dma_start3A_191 : memref<128xi32, #tpu.memory_space<vmem>>) semaphore(%arg16 : memref<!tpu.dma_semaphore, #tpu.memory_space<semaphore_mem>>)
      %dma_start3A_194 = arith.constant 4 : i32
      %dma_start3A_195 = arith.constant 0 : i32
      %dma_start3A_196 = tpu.memref_slice %arg11[%dma_start3A_194, %dma_start3A_195] : memref<5x128xi32, #tpu.memory_space<vmem>> -> memref<1x128xi32, #tpu.memory_space<vmem>>
      %dma_start3A_197 = tpu.memref_squeeze %dma_start3A_196 : memref<1x128xi32, #tpu.memory_space<vmem>> -> memref<128xi32, #tpu.memory_space<vmem>>
      %dma_start3A_198 = arith.constant 0 : i32
      %dma_start3A_199 = tpu.memref_slice %arg6[%dma_start3A_198] : memref<1179664xf32, #tpu.memory_space<vmem_shared>> -> memref<1179664xf32, #tpu.memory_space<vmem_shared>>
      tpu.enqueue_indirect_dma source(%arg13 : memref<128xf32, #tpu.memory_space<vmem>>) target(%dma_start3A_199 : memref<1179664xf32, #tpu.memory_space<vmem_shared>>) offsets(%dma_start3A_197 : memref<128xi32, #tpu.memory_space<vmem>>) semaphore(%arg16 : memref<!tpu.dma_semaphore, #tpu.memory_space<semaphore_mem>>)
      %dma_start3A_200 = arith.constant 4 : i32
      %dma_start3A_201 = arith.constant 0 : i32
      %dma_start3A_202 = tpu.memref_slice %arg12[%dma_start3A_200, %dma_start3A_201] : memref<5x128xi32, #tpu.memory_space<vmem>> -> memref<1x128xi32, #tpu.memory_space<vmem>>
      %dma_start3A_203 = tpu.memref_squeeze %dma_start3A_202 : memref<1x128xi32, #tpu.memory_space<vmem>> -> memref<128xi32, #tpu.memory_space<vmem>>
      %dma_start3A_204 = arith.constant 0 : i32
      %dma_start3A_205 = tpu.memref_slice %arg6[%dma_start3A_204] : memref<1179664xf32, #tpu.memory_space<vmem_shared>> -> memref<1179664xf32, #tpu.memory_space<vmem_shared>>
      tpu.enqueue_indirect_dma source(%arg14 : memref<128xf32, #tpu.memory_space<vmem>>) target(%dma_start3A_205 : memref<1179664xf32, #tpu.memory_space<vmem_shared>>) offsets(%dma_start3A_203 : memref<128xi32, #tpu.memory_space<vmem>>) semaphore(%arg16 : memref<!tpu.dma_semaphore, #tpu.memory_space<semaphore_mem>>)
      %dma_wait3A_206 = arith.constant 0 : i32
      %dma_wait3A_207 = arith.constant 0 : i32
      %dma_wait3A_208 = tpu.memref_slice %arg11[%dma_wait3A_206, %dma_wait3A_207] : memref<5x128xi32, #tpu.memory_space<vmem>> -> memref<1x128xi32, #tpu.memory_space<vmem>>
      %dma_wait3A_209 = tpu.memref_squeeze %dma_wait3A_208 : memref<1x128xi32, #tpu.memory_space<vmem>> -> memref<128xi32, #tpu.memory_space<vmem>>
      %dma_wait3A_210 = arith.constant 0 : i32
      %dma_wait3A_211 = tpu.memref_slice %arg6[%dma_wait3A_210] : memref<1179664xf32, #tpu.memory_space<vmem_shared>> -> memref<1179664xf32, #tpu.memory_space<vmem_shared>>
      tpu.wait_indirect_dma semaphore(%arg16 : memref<!tpu.dma_semaphore, #tpu.memory_space<semaphore_mem>>) src(%arg13 : memref<128xf32, #tpu.memory_space<vmem>>) dst(%dma_wait3A_211 : memref<1179664xf32, #tpu.memory_space<vmem_shared>>)
      %dma_wait3A_212 = arith.constant 0 : i32
      %dma_wait3A_213 = arith.constant 0 : i32
      %dma_wait3A_214 = tpu.memref_slice %arg12[%dma_wait3A_212, %dma_wait3A_213] : memref<5x128xi32, #tpu.memory_space<vmem>> -> memref<1x128xi32, #tpu.memory_space<vmem>>
      %dma_wait3A_215 = tpu.memref_squeeze %dma_wait3A_214 : memref<1x128xi32, #tpu.memory_space<vmem>> -> memref<128xi32, #tpu.memory_space<vmem>>
      %dma_wait3A_216 = arith.constant 0 : i32
      %dma_wait3A_217 = tpu.memref_slice %arg6[%dma_wait3A_216] : memref<1179664xf32, #tpu.memory_space<vmem_shared>> -> memref<1179664xf32, #tpu.memory_space<vmem_shared>>
      tpu.wait_indirect_dma semaphore(%arg16 : memref<!tpu.dma_semaphore, #tpu.memory_space<semaphore_mem>>) src(%arg14 : memref<128xf32, #tpu.memory_space<vmem>>) dst(%dma_wait3A_217 : memref<1179664xf32, #tpu.memory_space<vmem_shared>>)
      %dma_wait3A_218 = arith.constant 1 : i32
      %dma_wait3A_219 = arith.constant 0 : i32
      %dma_wait3A_220 = tpu.memref_slice %arg11[%dma_wait3A_218, %dma_wait3A_219] : memref<5x128xi32, #tpu.memory_space<vmem>> -> memref<1x128xi32, #tpu.memory_space<vmem>>
      %dma_wait3A_221 = tpu.memref_squeeze %dma_wait3A_220 : memref<1x128xi32, #tpu.memory_space<vmem>> -> memref<128xi32, #tpu.memory_space<vmem>>
      %dma_wait3A_222 = arith.constant 0 : i32
      %dma_wait3A_223 = tpu.memref_slice %arg6[%dma_wait3A_222] : memref<1179664xf32, #tpu.memory_space<vmem_shared>> -> memref<1179664xf32, #tpu.memory_space<vmem_shared>>
      tpu.wait_indirect_dma semaphore(%arg16 : memref<!tpu.dma_semaphore, #tpu.memory_space<semaphore_mem>>) src(%arg13 : memref<128xf32, #tpu.memory_space<vmem>>) dst(%dma_wait3A_223 : memref<1179664xf32, #tpu.memory_space<vmem_shared>>)
      %dma_wait3A_224 = arith.constant 1 : i32
      %dma_wait3A_225 = arith.constant 0 : i32
      %dma_wait3A_226 = tpu.memref_slice %arg12[%dma_wait3A_224, %dma_wait3A_225] : memref<5x128xi32, #tpu.memory_space<vmem>> -> memref<1x128xi32, #tpu.memory_space<vmem>>
      %dma_wait3A_227 = tpu.memref_squeeze %dma_wait3A_226 : memref<1x128xi32, #tpu.memory_space<vmem>> -> memref<128xi32, #tpu.memory_space<vmem>>
      %dma_wait3A_228 = arith.constant 0 : i32
      %dma_wait3A_229 = tpu.memref_slice %arg6[%dma_wait3A_228] : memref<1179664xf32, #tpu.memory_space<vmem_shared>> -> memref<1179664xf32, #tpu.memory_space<vmem_shared>>
      tpu.wait_indirect_dma semaphore(%arg16 : memref<!tpu.dma_semaphore, #tpu.memory_space<semaphore_mem>>) src(%arg14 : memref<128xf32, #tpu.memory_space<vmem>>) dst(%dma_wait3A_229 : memref<1179664xf32, #tpu.memory_space<vmem_shared>>)
      %dma_wait3A_230 = arith.constant 2 : i32
      %dma_wait3A_231 = arith.constant 0 : i32
      %dma_wait3A_232 = tpu.memref_slice %arg11[%dma_wait3A_230, %dma_wait3A_231] : memref<5x128xi32, #tpu.memory_space<vmem>> -> memref<1x128xi32, #tpu.memory_space<vmem>>
      %dma_wait3A_233 = tpu.memref_squeeze %dma_wait3A_232 : memref<1x128xi32, #tpu.memory_space<vmem>> -> memref<128xi32, #tpu.memory_space<vmem>>
      %dma_wait3A_234 = arith.constant 0 : i32
      %dma_wait3A_235 = tpu.memref_slice %arg6[%dma_wait3A_234] : memref<1179664xf32, #tpu.memory_space<vmem_shared>> -> memref<1179664xf32, #tpu.memory_space<vmem_shared>>
      tpu.wait_indirect_dma semaphore(%arg16 : memref<!tpu.dma_semaphore, #tpu.memory_space<semaphore_mem>>) src(%arg13 : memref<128xf32, #tpu.memory_space<vmem>>) dst(%dma_wait3A_235 : memref<1179664xf32, #tpu.memory_space<vmem_shared>>)
      %dma_wait3A_236 = arith.constant 2 : i32
      %dma_wait3A_237 = arith.constant 0 : i32
      %dma_wait3A_238 = tpu.memref_slice %arg12[%dma_wait3A_236, %dma_wait3A_237] : memref<5x128xi32, #tpu.memory_space<vmem>> -> memref<1x128xi32, #tpu.memory_space<vmem>>
      %dma_wait3A_239 = tpu.memref_squeeze %dma_wait3A_238 : memref<1x128xi32, #tpu.memory_space<vmem>> -> memref<128xi32, #tpu.memory_space<vmem>>
      %dma_wait3A_240 = arith.constant 0 : i32
      %dma_wait3A_241 = tpu.memref_slice %arg6[%dma_wait3A_240] : memref<1179664xf32, #tpu.memory_space<vmem_shared>> -> memref<1179664xf32, #tpu.memory_space<vmem_shared>>
      tpu.wait_indirect_dma semaphore(%arg16 : memref<!tpu.dma_semaphore, #tpu.memory_space<semaphore_mem>>) src(%arg14 : memref<128xf32, #tpu.memory_space<vmem>>) dst(%dma_wait3A_241 : memref<1179664xf32, #tpu.memory_space<vmem_shared>>)
      %dma_wait3A_242 = arith.constant 3 : i32
      %dma_wait3A_243 = arith.constant 0 : i32
      %dma_wait3A_244 = tpu.memref_slice %arg11[%dma_wait3A_242, %dma_wait3A_243] : memref<5x128xi32, #tpu.memory_space<vmem>> -> memref<1x128xi32, #tpu.memory_space<vmem>>
      %dma_wait3A_245 = tpu.memref_squeeze %dma_wait3A_244 : memref<1x128xi32, #tpu.memory_space<vmem>> -> memref<128xi32, #tpu.memory_space<vmem>>
      %dma_wait3A_246 = arith.constant 0 : i32
      %dma_wait3A_247 = tpu.memref_slice %arg6[%dma_wait3A_246] : memref<1179664xf32, #tpu.memory_space<vmem_shared>> -> memref<1179664xf32, #tpu.memory_space<vmem_shared>>
      tpu.wait_indirect_dma semaphore(%arg16 : memref<!tpu.dma_semaphore, #tpu.memory_space<semaphore_mem>>) src(%arg13 : memref<128xf32, #tpu.memory_space<vmem>>) dst(%dma_wait3A_247 : memref<1179664xf32, #tpu.memory_space<vmem_shared>>)
      %dma_wait3A_248 = arith.constant 3 : i32
      %dma_wait3A_249 = arith.constant 0 : i32
      %dma_wait3A_250 = tpu.memref_slice %arg12[%dma_wait3A_248, %dma_wait3A_249] : memref<5x128xi32, #tpu.memory_space<vmem>> -> memref<1x128xi32, #tpu.memory_space<vmem>>
      %dma_wait3A_251 = tpu.memref_squeeze %dma_wait3A_250 : memref<1x128xi32, #tpu.memory_space<vmem>> -> memref<128xi32, #tpu.memory_space<vmem>>
      %dma_wait3A_252 = arith.constant 0 : i32
      %dma_wait3A_253 = tpu.memref_slice %arg6[%dma_wait3A_252] : memref<1179664xf32, #tpu.memory_space<vmem_shared>> -> memref<1179664xf32, #tpu.memory_space<vmem_shared>>
      tpu.wait_indirect_dma semaphore(%arg16 : memref<!tpu.dma_semaphore, #tpu.memory_space<semaphore_mem>>) src(%arg14 : memref<128xf32, #tpu.memory_space<vmem>>) dst(%dma_wait3A_253 : memref<1179664xf32, #tpu.memory_space<vmem_shared>>)
      %dma_wait3A_254 = arith.constant 4 : i32
      %dma_wait3A_255 = arith.constant 0 : i32
      %dma_wait3A_256 = tpu.memref_slice %arg11[%dma_wait3A_254, %dma_wait3A_255] : memref<5x128xi32, #tpu.memory_space<vmem>> -> memref<1x128xi32, #tpu.memory_space<vmem>>
      %dma_wait3A_257 = tpu.memref_squeeze %dma_wait3A_256 : memref<1x128xi32, #tpu.memory_space<vmem>> -> memref<128xi32, #tpu.memory_space<vmem>>
      %dma_wait3A_258 = arith.constant 0 : i32
      %dma_wait3A_259 = tpu.memref_slice %arg6[%dma_wait3A_258] : memref<1179664xf32, #tpu.memory_space<vmem_shared>> -> memref<1179664xf32, #tpu.memory_space<vmem_shared>>
      tpu.wait_indirect_dma semaphore(%arg16 : memref<!tpu.dma_semaphore, #tpu.memory_space<semaphore_mem>>) src(%arg13 : memref<128xf32, #tpu.memory_space<vmem>>) dst(%dma_wait3A_259 : memref<1179664xf32, #tpu.memory_space<vmem_shared>>)
      %dma_wait3A_260 = arith.constant 4 : i32
      %dma_wait3A_261 = arith.constant 0 : i32
      %dma_wait3A_262 = tpu.memref_slice %arg12[%dma_wait3A_260, %dma_wait3A_261] : memref<5x128xi32, #tpu.memory_space<vmem>> -> memref<1x128xi32, #tpu.memory_space<vmem>>
      %dma_wait3A_263 = tpu.memref_squeeze %dma_wait3A_262 : memref<1x128xi32, #tpu.memory_space<vmem>> -> memref<128xi32, #tpu.memory_space<vmem>>
      %dma_wait3A_264 = arith.constant 0 : i32
      %dma_wait3A_265 = tpu.memref_slice %arg6[%dma_wait3A_264] : memref<1179664xf32, #tpu.memory_space<vmem_shared>> -> memref<1179664xf32, #tpu.memory_space<vmem_shared>>
      tpu.wait_indirect_dma semaphore(%arg16 : memref<!tpu.dma_semaphore, #tpu.memory_space<semaphore_mem>>) src(%arg14 : memref<128xf32, #tpu.memory_space<vmem>>) dst(%dma_wait3A_265 : memref<1179664xf32, #tpu.memory_space<vmem_shared>>)
      %barrier3A_266 = arith.constant 0 : index
      tpu.barrier barrier_id(%barrier3A_266)
      %mul3A_267 = arith.constant 73728 : i32
      %mul3A_268 = arith.muli %arg1, %mul3A_267 : i32
      %mul3A_269 = arith.constant 73728 : i32
      %mul3A_270 = arith.muli %arg1, %mul3A_269 : i32
      %add3A_271 = arith.addi %add3A_55, %mul3A_270 : i32
      "tpu.region"() ({
        %run_scoped3A = tpu.sem_alloc : memref<!tpu.dma_semaphore, #tpu.memory_space<semaphore_mem>>
        %dma_start3A_272 = tpu.memref_slice %arg5[%add3A_271] : memref<28311552xf32, #tpu.memory_space<hbm>> -> memref<73728xf32, #tpu.memory_space<hbm>>
        %dma_start3A_273 = tpu.memref_slice %arg6[%mul3A_268] : memref<1179664xf32, #tpu.memory_space<vmem_shared>> -> memref<73728xf32, #tpu.memory_space<vmem_shared>>
        tpu.enqueue_dma source(%dma_start3A_273 : memref<73728xf32, #tpu.memory_space<vmem_shared>>) target(%dma_start3A_272 : memref<73728xf32, #tpu.memory_space<hbm>>) target_semaphore(%run_scoped3A : memref<!tpu.dma_semaphore, #tpu.memory_space<semaphore_mem>>)
        %dma_wait3A_274 = tpu.memref_slice %arg5[%add3A_271] : memref<28311552xf32, #tpu.memory_space<hbm>> -> memref<73728xf32, #tpu.memory_space<hbm>>
        %dma_wait3A_275 = tpu.memref_slice %arg6[%mul3A_268] : memref<1179664xf32, #tpu.memory_space<vmem_shared>> -> memref<73728xf32, #tpu.memory_space<vmem_shared>>
        tpu.wait_dma2 semaphore(%run_scoped3A : memref<!tpu.dma_semaphore, #tpu.memory_space<semaphore_mem>>) src(%dma_wait3A_275 : memref<73728xf32, #tpu.memory_space<vmem_shared>>) dst(%dma_wait3A_274 : memref<73728xf32, #tpu.memory_space<hbm>>)
        tpu.yield
      }) : () -> ()
    }
    %scan3A_51 = arith.constant 12 : i32
    return
  }
}

</mosaic_0001>

<sc_bundles>
// kernel: kernel.3.cloned.1.call-start
scs
__scs_entry_jumppad:
0x0: {  	(pc) =	sbr.rel $0x88, $3  }
0x1: {  	(tag) =	ssettag $0x0;
	lr =	simm.s32 $0x1  }
0x2: {  	[smem:$0x3F9E] =	sst lr;
	_ =	strace $0xD0000000  }
0x3: {  	_ = 	snop  }
0x4: {  	_ = 	snop  }
0x5: {  	_ = 	snop  }
0x6: {  	_ = 	snop  }
0x7: {  	_ = 	snop  }
__scs_overlays_trampoline_lowered:
0x8: {  	[smem:$0x3FAD] =	sst s0  }
0x9: {  	[smem:$0x3FAE] =	sst s1  }
0xa: {  	[smem:$0x3FAF] =	sst s2  }
0xb: {  	[smem:$0x3FB0] =	sst s3  }
0xc: {  	[smem:$0x3FB1] =	sst s4  }
0xd: {  	[smem:$0x3FB2] =	sst s5  }
0xe: {  	[smem:$0x3FB3] =	sst s6  }
0xf: {  	[smem:$0x3FB4] =	sst s7  }
0x10: {  	[smem:$0x3FB5] =	sst s8  }
0x11: {  	[smem:$0x3FB6] =	sst s9;
	s0 =	simm.s32 @!p0 $0x0  }
0x12: {  	s1 =	sld [smem:$0x3F9C];
	s0 =	simm.s32 @p0 $0x1  }
0x13: {  	[smem:$0x3FB7] =	sst s0;
	s0 =	simm.s32 @!p1 $0x0  }
0x14: {  	s2 =	sld [smem:$0x3F9B];
	s0 =	simm.s32 @p1 $0x1  }
0x15: {  	[smem:$0x3FB8] =	sst s0;
	s0 =	simm.s32 @!p2 $0x0  }
0x16: {  	s3 =	sld [smem:$0x3FDB];
	s0 =	simm.s32 @p2 $0x1  }
0x17: {  	s4 =	simm.s32 $0x1BF5;
	[smem:$0x3FBA] =	sst s0  }
0x18: {  	s0 =	sld [smem:$0x3F9D];
	_ =	swait.ge [sflag:s4], $0x0  }
0x19: {  	s7 =	sld [smem:$0x3F9E]  }
0x1a: {  	s8 =	sadd.s32 $0xFFFFE003, lr  }
0x1b: {  	s9 =	sadd.s32 $0xFFFFFEF7, lr;
	s5 =	simm.s32 $0xFFFFFFFF;
	p2 =	slt.u32 s8, $0xFFFFF086  }
0x1c: {  	p1 =	slt.u32 s9, $0xF7A;
	s5 =	simm.s32 @!p2 $0x0  }
0x1d: {  	s5 =	simm.s32 @p1 $0x1;
	p0 =	seq.s32 s7, s2  }
0x1e: {  	s7 =	smul.u32 @!p0 $0xF7A, s2;
	p2 =	seq.s32 @!p0 s5, $0x0  }
0x1f: {  	s9 =	smul.u32 $0xF7A, s1;
	s8 =	simm.s32 @!p0 $0x1BF5;
	p2 =	por !p2, p0  }
0x20: {  	[sflag:s8] =	ssyncset.s32 @!p0 $0xFFFFF086;
	s6 =	sadd.s32 @!p0 s3, s7;
	s7 =	simm.s32 @!p0 $0x108  }
0x21: {  	s3 =	sadd.s32 s3, s9;
	s6 =	sadd.s32 @!p0 $0x88, s6;
	s7 =	simm.s32 @p2 $0x1082  }
0x22: {  	[simem:s7], [sflag:s8] =	dma.local @!p0 [hbm:s6], $0xF7A  }
0x23: {  	s9 =	sor.u32 $0xD0000000, s2;
	s6 =	simm.s32 $0x108;
	_ =	swait.ge @!p0 [sflag:s8], $0x0  }
0x24: {  	s3 =	sadd.s32 $0x88, s3;
	s6 =	simm.s32 @!p1 $0x1082;
	[sflag:s4] =	ssyncset.s32 $0xFFFFF086  }
0x25: {  	[simem:s6], [sflag:s4] =	dma.local [hbm:s3], $0xF7A  }
0x26: {  	[smem:$0x3F9E] =	sst s1;
	(tag) =	ssettag s2;
	_ =	strace s9  }
0x27: {  	s1 =	sld [smem:$0x3FAE]  }
0x28: {  	s2 =	sld [smem:$0x3FAF]  }
0x29: {  	s4 =	sld [smem:$0x3FB1]  }
0x2a: {  	p0 =	seq.s32 s5, $0x0;
	s5 =	sld [smem:$0x3FB2]  }
0x2b: {  	s6 =	sld [smem:$0x3FB3]  }
0x2c: {  	s7 =	sld [smem:$0x3FB4]  }
0x2d: {  	s3 =	simm.s32 $0x108;
	s8 =	sld [smem:$0x3FB5]  }
0x2e: {  	s3 =	simm.s32 @!p0 $0x1082;
	s9 =	sld [smem:$0x3FB6]  }
0x2f: {  	lr =	sadd.s32 s0, s3;
	s0 =	sld [smem:$0x3FAD]  }
0x30: {  	s3 =	sld [smem:$0x3FB0]  }
0x31: {  	[smem:$0x3FB9] =	sst s10  }
0x32: {  	s10 =	sld [smem:$0x3FB7];
	_ =	sdelay $0x3  }
0x33: {  	p0 =	seq.s32 s10, $0x1;
	s10 =	sld [smem:$0x3FB9];
	_ =	sdelay $0x3  }
0x34: {  	[smem:$0x3FB9] =	sst s10  }
0x35: {  	s10 =	sld [smem:$0x3FB8];
	_ =	sdelay $0x3  }
0x36: {  	p1 =	seq.s32 s10, $0x1;
	s10 =	sld [smem:$0x3FB9];
	_ =	sdelay $0x3  }
0x37: {  	[smem:$0x3FB9] =	sst s10  }
0x38: {  	s10 =	sld [smem:$0x3FBA]  }
0x39: {  	_ = 	snop;
	(pc) =	sbr.ind lr, $3  }
0x3a: {  	_ = 	snop  }
0x3b: {  	_ = 	snop  }
0x3c: {  	p2 =	seq.s32 s10, $0x1;
	s10 =	sld [smem:$0x3FB9]  }
0x3d: {  	_ =	shalt  }
0x3e: {  	_ =	shalt  }
0x3f: {  	_ =	shalt  }
0x40: {  	_ =	shalt  }
0x41: {  	_ =	shalt  }
0x42: {  	_ =	shalt  }
0x43: {  	_ =	shalt  }
0x44: {  	_ =	shalt  }
0x45: {  	_ =	shalt  }
0x46: {  	_ =	shalt  }
0x47: {  	_ =	shalt  }
0x48: {  	_ =	shalt  }
0x49: {  	_ =	shalt  }
0x4a: {  	_ =	shalt  }
0x4b: {  	_ =	shalt  }
0x4c: {  	_ =	shalt  }
0x4d: {  	_ =	shalt  }
0x4e: {  	_ =	shalt  }
0x4f: {  	_ =	shalt  }
0x50: {  	_ =	shalt  }
0x51: {  	_ =	shalt  }
0x52: {  	_ =	shalt  }
0x53: {  	_ =	shalt  }
0x54: {  	_ =	shalt  }
0x55: {  	_ =	shalt  }
0x56: {  	_ =	shalt  }
0x57: {  	_ =	shalt  }
0x58: {  	_ =	shalt  }
0x59: {  	_ =	shalt  }
0x5a: {  	_ =	shalt  }
0x5b: {  	_ =	shalt  }
0x5c: {  	_ =	shalt  }
0x5d: {  	_ =	shalt  }
0x5e: {  	_ =	shalt  }
0x5f: {  	_ =	shalt  }
0x60: {  	_ =	shalt  }
0x61: {  	_ =	shalt  }
0x62: {  	_ =	shalt  }
0x63: {  	_ =	shalt  }
0x64: {  	_ =	shalt  }
0x65: {  	_ =	shalt  }
0x66: {  	_ =	shalt  }
0x67: {  	_ =	shalt  }
0x68: {  	_ =	shalt  }
0x69: {  	_ =	shalt  }
0x6a: {  	_ =	shalt  }
0x6b: {  	_ =	shalt  }
0x6c: {  	_ =	shalt  }
0x6d: {  	_ =	shalt  }
0x6e: {  	_ =	shalt  }
0x6f: {  	_ =	shalt  }
0x70: {  	_ =	shalt  }
0x71: {  	_ =	shalt  }
0x72: {  	_ =	shalt  }
0x73: {  	_ =	shalt  }
0x74: {  	_ =	shalt  }
0x75: {  	_ =	shalt  }
0x76: {  	_ =	shalt  }
0x77: {  	_ =	shalt  }
0x78: {  	_ =	shalt  }
0x79: {  	_ =	shalt  }
0x7a: {  	_ =	shalt  }
0x7b: {  	_ =	shalt  }
0x7c: {  	_ =	shalt  }
0x7d: {  	_ =	shalt  }
0x7e: {  	_ =	shalt  }
0x7f: {  	_ =	shalt  }
0x80: {  	_ =	shalt  }
0x81: {  	_ =	shalt  }
0x82: {  	_ =	shalt  }
0x83: {  	_ =	shalt  }
0x84: {  	_ =	shalt  }
0x85: {  	_ =	shalt  }
0x86: {  	_ =	shalt  }
0x87: {  	_ =	shalt  }
.Lfunc_end0:
.L_simem_size_0:
called_computation_lowered:
.L_overlay_start_0:
0x88: {  	s2 =	sld [smem:$0x3FD9]  }
0x89: {  	s3 =	sld [smem:$0x3FFE];
	_ =	sdelay $0x1  }
0x8a: {  	s1 =	srdreg.scid  }
0x8b: {  	s0 =	sand.u32 $0x1, s1  }
0x8c: {  	s17 =	sshll.u32 s0, $0xA;
	s2 =	sadd.s32 s3, s2  }
0x8d: {  	s2 =	sadd.s32 s2, s17  }
0x8e: {  	[smem:$0x3FC5] =	sst s2  }
0x8f: {  	_ = 	snop  }
0x90: {  	s2 =	sld [smem:$0x3FD0];
	(tm) =	ssettm $0x1  }
0x91: {  	s18 =	sld [smem:$0x3FFB];
	_ =	sdelay $0x3  }
0x92: {  	_ =	strace s18  }
0x93: {  	s3 =	sld [smem:$0x3FFC];
	_ =	sdelay $0x3  }
0x94: {  	_ =	strace s3  }
0x95: {  	s3 =	sld [smem:$0x3FFD];
	_ =	sdelay $0x3  }
0x96: {  	_ =	strace s3  }
0x97: {  	_ =	strace $0x8FFFFFFF  }
0x98: {  	s19 =	sld [smem:$0x3FDB];
	_ =	sdelay $0x1  }
0x99: {  	s4 =	simm.s32 $_scs_section_size  }
0x9a: {  	s5 =	simm.s32 $_size__tile_overlayer_lowered;
	s6 =	simm.s32 $_tile_overlayer_lowered  }
0x9b: {  	s22 =	simm.s32 $0x1BFF;
	s21 =	sshll.u32 s6, $0x1;
	s3 =	sadd.s32 s4, s19  }
0x9c: {  	s7 =	simm.s32 $0x0;
	s20 =	sshll.u32 s5, $0x1;
	s5 =	sadd.s32 s21, s3  }
0x9d: {  	[timem:s7], [sflag:s22] =	dma.local [hbm:s5], s20  }
0x9e: {  	_ =	swait.ge [sflag:s22], s20  }
0x9f: {  	s4 =	ssub.s32 $0x0, s20;
	[sflag:s22] =	ssyncset.done $0x0  }
0xa0: {  	[sflag:s22] =	ssyncadd.s32 s4;
	_ =	sdelay $0x1  }
0xa1: {  	s23 =	simm.s32 $0x1B8B  }
0xa2: {  	_ =	swait.ge [sflag:s23], $0x1  }
0xa3: {  	[sflag:s23] =	ssyncset.done $0x0  }
0xa4: {  	s25 =	simm.s32 $0x1B8E;
	s24 =	sld [smem:$0x3FFE];
	[sflag:s23] =	ssyncadd.s32 $0xFFFFFFFF  }
0xa5: {  	s26 =	simm.s32 $execute0_lowered;
	[smem:$0x3FD2] =	sst s25  }
0xa6: {  	s5 =	sshll.u32 s26, $0x1;
	_ =	strace $0x80000046;
	[dreg:$0x1] =	wrdreg $0xFFFFFFFF  }
0xa7: {  	s28 =	simm.s32 $_size_execute0_lowered;
	s3 =	sadd.s32 s3, s5;
	[dreg:$0x0] =	wrdreg $0x0  }
0xa8: {  	s5 =	sshll.u32 s28, $0x1;
	[dreg:$0x2] =	wrdreg s3  }
0xa9: {  	[dreg:$0x3] =	wrdreg s5  }
0xaa: {  	[dreg:$0x4] =	wrdreg $0xC0  }
0xab: {  	_ =	task [dreg:s7], $0x5FFFF  }
0xac: {  	[dreg:$0x1] =	wrdreg $0xFFFFFFFF  }
0xad: {  	[dreg:$0x0] =	wrdreg $0x60  }
0xae: {  	[dreg:$0x2] =	wrdreg s2  }
0xaf: {  	[dreg:$0x3] =	wrdreg s24  }
0xb0: {  	[dreg:$0x4] =	wrdreg $0x0  }
0xb1: {  	[dreg:$0x5] =	wrdreg $0x9  }
0xb2: {  	_ =	task.clear_ibuf [dreg:s7], $0x6FFFF;
	_ =	strace $0x90000046  }
0xb3: {  	s29 =	simm.s32 $0x9;
	_ =	strace $0x80000048  }
0xb4: {  	_ =	swait.ge [sflag:s29], $0x1  }
0xb5: {  	[sflag:s29] =	ssyncadd.s32 $0xFFFFFFFF  }
0xb6: {  	_ =	strace $0x90000048  }
0xb7: {  	_ =	sfence  }
0xb8: {  	s30 =	sld [smem:$0x0];
	_ =	sdelay $0x2  }
0xb9: {  	s31 =	sshll.u32 s1, $0xD;
	s1 =	sshrl.u32 s1, $0x2  }
0xba: {  	s3 =	sand.u32 $0x4000, s31;
	s1 =	sadd.s32 s1, s30  }
0xbb: {  	s0 =	sor.u32 s3, s0;
	s1 =	sshll.u32 s1, $0x11  }
0xbc: {  	s0 =	sor.u32 s1, s0  }
0xbd: {  	s0 =	sadd.s32 $0x8F2B, s0  }
0xbe: {  	[sflag:s0] =	ssyncadd.remote.s32 $0x1  }
0xbf: {  	_ =	sfence.sel $0xFFFF  }
0xc0: {  	[dreg:$0x0] =	wrdreg $0xFFFFFFFF;
	(pc) =	sbr.abs _section_cstart, $3  }
0xc1: {  	[dreg:$0x1] =	wrdreg $0xFFFFFFFF  }
0xc2: {  	_ =	task.clear_ibuf [dreg:s7], $0x2FFFF;
	_ =	strace $0x9FFFFFFF  }
0xc3: {  	(tm) =	ssettm $0x7FFFFFFF  }
tec
execute0_lowered:
.L_overlay_start_1:
0x0: {  	(tag) =	ssettag $0x1  }
0x1: {  	s8 =	stileid.u32;
	s0 =	rddreg [dreg:$0x1]  }
0x2: {  	s3 =	rddreg [dreg:$0x2];
	s9 =	simm.s32 $0x0;
	s24 =	srdreg.scid  }
0x3: {  	s12 =	simm.s32 $0x80;
	s15 =	simm.s32 $0x3;
	s17 =	simm.s32 $0x16608  }
0x4: {  	s18 =	simm.s32 $0x17908;
	s19 =	simm.s32 $0x1;
	s20 =	simm.s32 $0x18C08  }
0x5: {  	s21 =	simm.s32 $0x19008;
	s22 =	simm.s32 $0x19408;
	s23 =	simm.s32 $0x19488  }
0x6: {  	s28 =	simm.s32 $0x19108;
	s29 =	simm.s32 $0x18D88;
	s1 =	sshrl.u32 s8, $0x3  }
0x7: {  	s30 =	simm.s32 $0x19188;
	s2 =	sshll.u32 s8, $0x7;
	s1 =	smul.u32 $0x11800, s1  }
0x8: {  	s31 =	simm.s32 $0x18E08;
	[smem:$0x7FF] =	sst s9;
	s2 =	sand.u32 $0x380, s2  }
0x9: {  	s5 =	sadd.s32 $0x9000, s0;
	s6 =	smul.u32 $0x12000, s8;
	s1 =	sor.u32 s2, s1  }
0xa: {  	_ =	strace $0x80000047;
	s2 =	sand.u32 $0x1, s24;
	s1 =	sshrl.u32 s1, $0x3  }
.Ltmp0:
0xb: {  	s4 =	ssub.s32 $0x2, s2;
	s1 =	sadd.s32 s1, s0;
	(pc) =	sbr.rel .LBB2_1-.Ltmp0, $4  }
0xc: {  	v2 =	vimm.s32 $0x1B00000;
	v0 =	vmov s8;
	s7 =	smul.u32 $0xD80000, s2;
	s25 =	sshrl.u32 s4, $0x1;
	s26 =	sadd.s32 $0x400, s1  }
0xd: {  	v3 =	vimm.f32 $1.000000000e+00;
	v4 =	vimm.f32 $0.0e+00;
	v0 =	vor.u32 $0x120000, v0;
	s0 =	ssub.s32 s4, s25;
	s1 =	sadd.s32 $0x4A00, s1;
	[dreg:$0x5] =	wrdreg s26  }
0xe: {  	v7 =	vlaneseq.u32;
	v5 =	vimm.s32 $0x0;
	s14 =	simm.s32 $0x2;
	v0 =	vbroadcast v0, $0x0;
	[dreg:$0x6] =	wrdreg s1;
	s0 =	smax.u32 s0, $0x1  }
0xf: {  	v6 =	vor.u32 $0x12F0, v7;
	v7 =	vor.u32 $0x270, v7;
	s10 =	sadd.s32 s6, s3;
	s2 =	simm.s32 $0x19208;
	v1 =	vmov s7;
	[dreg:$0x7] =	wrdreg s0  }
.LBB2_29:
0x10: {  	s9 =	rddreg [dreg:$0x4]  }
0x11: {  	s0 =	rddreg [dreg:$0x7];
	s9 =	sadd.s32 $0x1, s9  }
0x12: {  	p0 =	sne.s32 s9, s0  }
.Ltmp1:
0x13: {  	_ = 	snop;
	(pc) =	sbr.rel @!p0 .LBB2_30-.Ltmp1, $1  }
0x14: {  	_ =	sdelay $0x3  }
.LBB2_1:
0x15: {  	s0 =	rddreg [dreg:$0x5];
	s1 =	simm.s32 $0x400;
	s4 =	simm.s32 $0x12008  }
0x16: {  	[tilespmem:s4], [sflag:$0x3] =	stream.strided.gather [hbm4b:s0+s12], $0x2300, s1, s12, $0x38;
	[tilespmem:$0x19508] =	vst v63  }
0x17: {  	_ =	swait.ge [sflag:s15], $0x2300  }
0x18: {  	[sflag:s15] =	ssyncset.done $0x0  }
0x19: {  	s26 =	simm.s32 $0x14308;
	s25 =	rddreg [dreg:$0x6];
	[sflag:s15] =	ssyncadd.s32 $0xFFFFDD00  }
0x1a: {  	[tilespmem:s26], [sflag:$0x3] =	stream.strided.gather [hbm4b:s25+s12], $0x2300, s1, s12, $0x38;
	[tilespmem:$0x19508] =	vst v63  }
0x1b: {  	_ =	swait.ge [sflag:s15], $0x2300  }
0x1c: {  	[sflag:s15] =	ssyncset.done $0x0  }
0x1d: {  	s0 =	simm.s32 $0x0;
	[sflag:s15] =	ssyncadd.s32 $0xFFFFDD00  }
.LBB2_2:
0x1e: {  	p0 =	sne.s32 s0, $0x4BC0  }
.Ltmp2:
0x1f: {  	_ = 	snop;
	(pc) =	sbr.rel @p0 .LBB2_2-.Ltmp2, $3  }
0x20: {  	_ =	sdelay $0x1  }
0x21: {  	s1 =	sshra.s32 s0, $0x2  }
0x22: {  	s0 =	sadd.s32 $0x40, s0;
	[tilespmem:s1+$0x16608] =	vst v2  }
0x23: {  	[dreg:$0x4] =	wrdreg s9;
	s0 =	simm.s32 $0x40;
	s1 =	simm.s32 $0x0  }
.LBB2_4:
0x24: {  	p0 =	sne.s32 s0, $0x4BC0;
	[tilespmem:s1+$0x17908] =	vst v2;
	s1 =	smov.u32 s0;
	s0 =	sadd.s32 $0x40, s0  }
.Ltmp3:
0x25: {  	(pc) =	sbr.rel @p0 .LBB2_4-.Ltmp3, $2  }
0x26: {  	_ =	sdelay $0x2  }
0x27: {  	s1 =	sshra.s32 s1, $0x2  }
0x28: {  	[tilespmem:s1+$0x17908] =	vst v2  }
0x29: {  	[tilespmem:$0x19408] =	vst v3  }
0x2a: {  	[tilespmem:$0x19418] =	vst v3  }
0x2b: {  	[tilespmem:$0x19428] =	vst v3  }
0x2c: {  	[tilespmem:$0x19438] =	vst v3  }
0x2d: {  	[tilespmem:$0x19448] =	vst v3  }
0x2e: {  	[tilespmem:$0x19458] =	vst v3  }
0x2f: {  	[tilespmem:$0x19468] =	vst v3  }
0x30: {  	[tilespmem:$0x19478] =	vst v3  }
0x31: {  	[tilespmem:$0x19488] =	vst v4  }
0x32: {  	[tilespmem:$0x19498] =	vst v4  }
0x33: {  	[tilespmem:$0x194A8] =	vst v4  }
0x34: {  	[tilespmem:$0x194B8] =	vst v4  }
0x35: {  	[tilespmem:$0x194C8] =	vst v4  }
0x36: {  	[tilespmem:$0x194D8] =	vst v4  }
0x37: {  	[tilespmem:$0x194E8] =	vst v4  }
0x38: {  	s0 =	simm.s32 $0x0;
	[tilespmem:$0x194F8] =	vst v4  }
0x39: {  	v9 =	vld [tilespmem:s0+$0x12008];
	_ =	sdelay $0x4  }
0x3a: {  	v8 =	vsub.s32 v9, v1  }
0x3b: {  	vm0 =	vlt.u32 v8, $0xD80000  }
0x3c: {  	v8 =	vsel vm0, $0x1, v5  }
0x3d: {  	(xrf0) =	vadd.scan.msk.s32 $0xffff, v8;
	_ =	sdelay $0x1  }
0x3e: {  	s4 =	simm.s32 $0x0  }
0x3f: {  	v8 =	vmov s4  }
0x40: {  	v8 =	vadd.s32 $0xFFFFFFFF, v8  }
0x41: {  	v8 =	vbroadcast v8, $0x0  }
0x42: {  	v10, _, _ =	vpop (xrf0)  }
0x43: {  	v11 =	vadd.s32 v8, v10;
	(v2sf) =	vpush v10, $0xF  }
0x44: {  	v11 =	vsel vm0, v11, v6;
	_ =	sdelay $0x3  }
0x45: {  	v9 =	vnsel vm0, $0x1B00000, v9  }
0x46: {  	s9 =	simm.s32 $0x10;
	s8 =	simm.s32 $0x80;
	s1 =	simm.s32 $0x0;
	[tilespmem:v11+s17+$0x0] =	vst.idx.msk $0xffff, v9  }
.LBB2_6:
0x47: {  	p0 =	seq.s32 s8, $0x8A00;
	v9 =	vld [tilespmem:s9+$0x12008];
	_ =	sdelay $0x4  }
0x48: {  	v10 =	vsub.s32 v9, v1  }
0x49: {  	vm0 =	vlt.u32 v10, $0xD80000  }
0x4a: {  	v10 =	vsel vm0, $0x1, v5;
	v9 =	vnsel vm0, $0x1B00000, v9  }
0x4b: {  	(xrf0) =	vadd.scan.msk.s32 $0xffff, v10;
	s9 =	spop (v2sf)  }
0x4c: {  	s1 =	sadd.s32 s1, s9  }
0x4d: {  	v10 =	vmov s1  }
0x4e: {  	v10 =	vadd.s32 $0xFFFFFFFF, v10  }
0x4f: {  	v10 =	vbroadcast v10, $0x0;
	_ =	sdelay $0x1  }
0x50: {  	v11, _, _ =	vpop (xrf0)  }
0x51: {  	v10 =	vadd.s32 v10, v11;
	(v2sf) =	vpush v11, $0xF  }
0x52: {  	v10 =	vsel vm0, v10, v6  }
.Ltmp4:
0x53: {  	(pc) =	sbr.rel @!p0 .LBB2_6-.Ltmp4, $2  }
0x54: {  	_ =	sdelay $0x2  }
0x55: {  	s9 =	sshra.s32 s8, $0x2;
	s8 =	sadd.s32 $0x40, s8;
	[tilespmem:v10+s17+$0x0] =	vst.idx.msk $0xffff, v9  }
0x56: {  	v9 =	vld [tilespmem:s9+$0x12008];
	_ =	sdelay $0x4  }
0x57: {  	v10 =	vsub.s32 v9, v1  }
0x58: {  	vm0 =	vlt.u32 v10, $0xD80000  }
0x59: {  	v10 =	vsel vm0, $0x1, v5  }
0x5a: {  	(xrf0) =	vadd.scan.msk.s32 $0xffff, v10  }
0x5b: {  	s8 =	spop (v2sf)  }
0x5c: {  	s1 =	sadd.s32 s1, s8  }
0x5d: {  	v11 =	vmov s1  }
0x5e: {  	v11 =	vadd.s32 $0xFFFFFFFF, v11  }
0x5f: {  	v11 =	vbroadcast v11, $0x0  }
0x60: {  	v10, _, _ =	vpop (xrf0)  }
0x61: {  	(v2sf) =	vpush v10, $0xF;
	v10 =	vadd.s32 v11, v10  }
0x62: {  	v10 =	vsel vm0, v10, v6;
	_ =	sdelay $0x3  }
0x63: {  	v9 =	vnsel vm0, $0x1B00000, v9  }
0x64: {  	[tilespmem:v10+s17+$0x0] =	vst.idx.msk $0xffff, v9  }
0x65: {  	v9 =	vld [tilespmem:s0+$0x14308];
	_ =	sdelay $0x4  }
0x66: {  	v63 =	vsub.s32 v9, v1  }
0x67: {  	vm15 =	vlt.u32 v63, $0xD80000  }
0x68: {  	v10 =	vsel vm15, $0x1, v5  }
0x69: {  	(xrf0) =	vadd.scan.msk.s32 $0xffff, v10;
	_ =	sdelay $0x5  }
0x6a: {  	v10, _, _ =	vpop (xrf0)  }
0x6b: {  	v8 =	vadd.s32 v8, v10;
	(v2sf) =	vpush v10, $0xF  }
0x6c: {  	v8 =	vsel vm15, v8, v6;
	_ =	sdelay $0x3  }
0x6d: {  	v9 =	vnsel vm15, $0x1B00000, v9;
	s26 =	spop (v2sf)  }
0x6e: {  	s0 =	simm.s32 $0x80;
	s8 =	sadd.s32 s1, s26;
	s1 =	simm.s32 $0x10;
	[tilespmem:v8+s18+$0x0] =	vst.idx.msk $0xffff, v9  }
.LBB2_8:
0x6f: {  	p0 =	seq.s32 s0, $0x8A00;
	v8 =	vld [tilespmem:s1+$0x14308];
	_ =	sdelay $0x4  }
0x70: {  	v9 =	vsub.s32 v8, v1  }
0x71: {  	vm0 =	vlt.u32 v9, $0xD80000  }
0x72: {  	v9 =	vsel vm0, $0x1, v5;
	v8 =	vnsel vm0, $0x1B00000, v8  }
0x73: {  	(xrf0) =	vadd.scan.msk.s32 $0xffff, v9;
	s1 =	spop (v2sf)  }
0x74: {  	s4 =	sadd.s32 s4, s1  }
0x75: {  	v9 =	vmov s4  }
0x76: {  	v9 =	vadd.s32 $0xFFFFFFFF, v9  }
0x77: {  	v9 =	vbroadcast v9, $0x0;
	_ =	sdelay $0x1  }
0x78: {  	v10, _, _ =	vpop (xrf0)  }
0x79: {  	v9 =	vadd.s32 v9, v10;
	(v2sf) =	vpush v10, $0xF  }
0x7a: {  	v9 =	vsel vm0, v9, v6  }
.Ltmp5:
0x7b: {  	(pc) =	sbr.rel @!p0 .LBB2_8-.Ltmp5, $2  }
0x7c: {  	_ =	sdelay $0x2  }
0x7d: {  	s1 =	sshra.s32 s0, $0x2;
	s0 =	sadd.s32 $0x40, s0;
	[tilespmem:v9+s18+$0x0] =	vst.idx.msk $0xffff, v8  }
0x7e: {  	v8 =	vld [tilespmem:s1+$0x14308];
	_ =	sdelay $0x4  }
0x7f: {  	v9 =	vsub.s32 v8, v1  }
0x80: {  	vm0 =	vlt.u32 v9, $0xD80000  }
0x81: {  	v9 =	vsel vm0, $0x1, v5  }
0x82: {  	(xrf0) =	vadd.scan.msk.s32 $0xffff, v9;
	_ =	sdelay $0x5  }
0x83: {  	v9, _, _ =	vpop (xrf0)  }
0x84: {  	(v2sf) =	vpush v9, $0xF;
	_ =	sdelay $0xb  }
0x85: {  	s0 =	spop (v2sf)  }
0x86: {  	s13 =	sadd.s32 $0xF, s8;
	s0 =	sadd.s32 s4, s0  }
0x87: {  	s16 =	sshra.s32 s13, $0x1F;
	s8 =	sand.u32 $0xF, s13;
	v10 =	vmov s0  }
0x88: {  	p0 =	slt.s32 s13, $0x1;
	p1 =	sne.s32 s8, $0x0;
	v10 =	vadd.s32 $0xFFFFFFFF, v10;
	s11 =	spop (v2sf)  }
0x89: {  	s8 =	simm.s32 $0x1;
	s4 =	sshrl.u32 s16, $0x1C;
	v10 =	vbroadcast v10, $0x0;
	s0 =	sadd.s32 s0, s11  }
0x8a: {  	p0 =	por !p0, !p1;
	s4 =	sadd.s32 s4, s13;
	s0 =	sadd.s32 $0xF, s0  }
0x8b: {  	p0 =	por !p0, !p0;
	s25 =	sshra.s32 s4, $0x4;
	v9 =	vadd.s32 v10, v9;
	s24 =	sand.u32 $0xF, s0  }
0x8c: {  	v9 =	vsel vm0, v9, v6;
	p6 =	slt.s32 s0, $0x1;
	s26 =	sshra.s32 s0, $0x1F;
	p2 =	sne.s32 s24, $0x0  }
.Ltmp6:
0x8d: {  	s4 =	sshrl.u32 s26, $0x1C;
	p1 =	por !p6, !p2;
	(pc) =	sbr.rel .LBB2_10-.Ltmp6, $4  }
0x8e: {  	s0 =	sadd.s32 s4, s0;
	s4 =	simm.s32 $0x1;
	p1 =	por !p1, !p1  }
0x8f: {  	s8 =	simm.s32 @!p0 $0x0;
	s0 =	sshra.s32 s0, $0x4;
	s4 =	simm.s32 @!p1 $0x0  }
0x90: {  	v8 =	vnsel vm0, $0x1B00000, v8;
	s16 =	ssub.s32 s25, s8;
	s13 =	ssub.s32 s0, s4  }
0x91: {  	s8 =	simm.s32 $0x0;
	p0 =	slt.s32 s16, $0x1;
	[tilespmem:v9+s18+$0x0] =	vst.idx.msk $0xffff, v8;
	p1 =	slt.s32 s13, $0x1  }
.LBB2_23:
0x92: {  	s1 =	simm.s32 $0x0  }
.LBB2_27:
0x93: {  	v8 =	vsub.s32 v9, v8  }
0x94: {  	vm0 =	vlt.u32 v8, $0x120000  }
0x95: {  	v63 =	vsel vm0, $0x1, v5  }
0x96: {  	(xrf0) =	vadd.scan.msk.s32 $0xffff, v63;
	_ =	sdelay $0x5  }
0x97: {  	v9, _, _ =	vpop (xrf0)  }
0x98: {  	(v2sf) =	vpush v9, $0xF;
	_ =	sdelay $0x1  }
0x99: {  	s24 =	spop @p2 (v2sf)  }
0x9a: {  	s1 =	sadd.s32 @p2 s1, s24  }
0x9b: {  	s0 =	smov.u32 @p2 s1  }
0x9c: {  	v10 =	vmov s0  }
0x9d: {  	v10 =	vadd.s32 $0xFFFFFFFF, v10  }
0x9e: {  	v10 =	vbroadcast v10, $0x0;
	_ =	sdelay $0x1  }
0x9f: {  	v9 =	vadd.s32 v10, v9  }
0xa0: {  	v9 =	vsel vm0, v9, v7;
	_ =	sdelay $0x3  }
0xa1: {  	v8 =	vsel vm0, v8, v0  }
0xa2: {  	[tilespmem:v9+s21+$0x0] =	vst.idx.msk $0xffff, v8;
	s26 =	spop (v2sf)  }
.LBB2_28:
0xa3: {  	_ =	swait.ge [sflag:s19], $0x2400  }
0xa4: {  	[sflag:s19] =	ssyncset.done $0x0  }
0xa5: {  	[sflag:s19] =	ssyncadd.s32 $0xFFFFDC00  }
0xa6: {  	[bflag:$0x0] =	sbarrier.arrive $0xFFFF  }
0xa7: {  	[spmem:s3] =	stream.indirect.scatter [tilespmem:s22], [sflag:$0x2], $0x1, s20, s12, $0xb8;
	[tilespmem:$0x19508] =	vst v63  }
0xa8: {  	_ = 	snop  }
0xa9: {  	[spmem:s3] =	stream.indirect.scatter [tilespmem:s23], [sflag:$0x2], $0x1, s21, s12, $0xb8;
	[tilespmem:$0x19508] =	vst v63  }
0xaa: {  	s0 =	simm.s32 $0x18C88  }
0xab: {  	[spmem:s3] =	stream.indirect.scatter [tilespmem:s22], [sflag:$0x2], $0x1, s0, s12, $0xb8;
	[tilespmem:$0x19508] =	vst v63  }
0xac: {  	s24 =	simm.s32 $0x19088  }
0xad: {  	[spmem:s3] =	stream.indirect.scatter [tilespmem:s23], [sflag:$0x2], $0x1, s24, s12, $0xb8;
	[tilespmem:$0x19508] =	vst v63  }
0xae: {  	s25 =	simm.s32 $0x18D08  }
0xaf: {  	[spmem:s3] =	stream.indirect.scatter [tilespmem:s22], [sflag:$0x2], $0x1, s25, s12, $0xb8;
	[tilespmem:$0x19508] =	vst v63  }
0xb0: {  	_ = 	snop  }
0xb1: {  	[spmem:s3] =	stream.indirect.scatter [tilespmem:s23], [sflag:$0x2], $0x1, s28, s12, $0xb8;
	[tilespmem:$0x19508] =	vst v63  }
0xb2: {  	_ = 	snop  }
0xb3: {  	[spmem:s3] =	stream.indirect.scatter [tilespmem:s22], [sflag:$0x2], $0x1, s29, s12, $0xb8;
	[tilespmem:$0x19508] =	vst v63  }
0xb4: {  	_ = 	snop  }
0xb5: {  	[spmem:s3] =	stream.indirect.scatter [tilespmem:s23], [sflag:$0x2], $0x1, s30, s12, $0xb8;
	[tilespmem:$0x19508] =	vst v63  }
0xb6: {  	_ = 	snop  }
0xb7: {  	[spmem:s3] =	stream.indirect.scatter [tilespmem:s22], [sflag:$0x2], $0x1, s31, s12, $0xb8;
	[tilespmem:$0x19508] =	vst v63  }
0xb8: {  	_ = 	snop  }
0xb9: {  	[spmem:s3] =	stream.indirect.scatter [tilespmem:s23], [sflag:$0x2], $0x1, s2, s12, $0xb8;
	[tilespmem:$0x19508] =	vst v63  }
0xba: {  	_ =	swait.ge [sflag:s14], $0x80  }
0xbb: {  	[sflag:s14] =	ssyncset.done $0x0  }
0xbc: {  	[sflag:s14] =	ssyncadd.s32 $0xFFFFFF80  }
0xbd: {  	_ =	swait.ge [sflag:s14], $0x80  }
0xbe: {  	[sflag:s14] =	ssyncset.done $0x0  }
0xbf: {  	[sflag:s14] =	ssyncadd.s32 $0xFFFFFF80  }
0xc0: {  	_ =	swait.ge [sflag:s14], $0x80  }
0xc1: {  	[sflag:s14] =	ssyncset.done $0x0  }
0xc2: {  	[sflag:s14] =	ssyncadd.s32 $0xFFFFFF80  }
0xc3: {  	_ =	swait.ge [sflag:s14], $0x80  }
0xc4: {  	[sflag:s14] =	ssyncset.done $0x0  }
0xc5: {  	[sflag:s14] =	ssyncadd.s32 $0xFFFFFF80  }
0xc6: {  	_ =	swait.ge [sflag:s14], $0x80  }
0xc7: {  	[sflag:s14] =	ssyncset.done $0x0  }
0xc8: {  	[sflag:s14] =	ssyncadd.s32 $0xFFFFFF80  }
0xc9: {  	_ =	swait.ge [sflag:s14], $0x80  }
0xca: {  	[sflag:s14] =	ssyncset.done $0x0  }
0xcb: {  	[sflag:s14] =	ssyncadd.s32 $0xFFFFFF80  }
0xcc: {  	_ =	swait.ge [sflag:s14], $0x80  }
0xcd: {  	[sflag:s14] =	ssyncset.done $0x0  }
0xce: {  	[sflag:s14] =	ssyncadd.s32 $0xFFFFFF80  }
0xcf: {  	_ =	swait.ge [sflag:s14], $0x80  }
0xd0: {  	[sflag:s14] =	ssyncset.done $0x0  }
0xd1: {  	[sflag:s14] =	ssyncadd.s32 $0xFFFFFF80  }
0xd2: {  	_ =	swait.ge [sflag:s14], $0x80  }
0xd3: {  	[sflag:s14] =	ssyncset.done $0x0  }
0xd4: {  	[sflag:s14] =	ssyncadd.s32 $0xFFFFFF80  }
0xd5: {  	_ =	swait.ge [sflag:s14], $0x80  }
0xd6: {  	s8 =	sadd.s32 $0x1, s8;
	[sflag:s14] =	ssyncset.done $0x0  }
0xd7: {  	s26 =	sadd.s32 s5, s9;
	p2 =	sne.s32 s8, $0xC;
	[sflag:s14] =	ssyncadd.s32 $0xFFFFFF80  }
.Ltmp7:
0xd8: {  	s1 =	sor.u32 $0x1C03, s11;
	[bflag:$0x0] =	sbarrier.arrive $0xFFFF;
	(pc) =	sbr.rel @!p2 .LBB2_29-.Ltmp7, $4  }
0xd9: {  	[hbm:s26], [sflag:s1] =	dma.local [spmem:s4], $0x2400  }
0xda: {  	_ =	swait.ge [sflag:s15], $0x2400  }
0xdb: {  	[sflag:s15] =	ssyncset.done $0x0  }
0xdc: {  	[sflag:s15] =	ssyncadd.s32 $0xFFFFDC00  }
.LBB2_10:
0xdd: {  	s0 =	smul.u32 $0x120000, s8;
	_ =	sdelay $0x1  }
0xde: {  	s0 =	sadd.s32 s7, s0  }
0xdf: {  	s25 =	stileid.u32;
	s1 =	sadd.s32 s6, s0  }
0xe0: {  	s26 =	rddreg [dreg:$0x0];
	s11 =	sshll.u32 s25, $0x6;
	s9 =	sshrl.u32 s1, $0x3  }
0xe1: {  	s4 =	sshrl.u32 s10, $0x3;
	s24 =	sor.u32 $0x1C01, s11;
	s1 =	sadd.s32 s26, s9  }
0xe2: {  	[spmem:s4], [sflag:s24] =	dma.local [hbm:s1], $0x2400  }
0xe3: {  	s1 =	simm.s32 $0x0  }
.LBB2_11:
0xe4: {  	p2 =	sne.s32 s1, $0x270  }
.Ltmp8:
0xe5: {  	_ = 	snop;
	(pc) =	sbr.rel @p2 .LBB2_11-.Ltmp8, $3  }
0xe6: {  	_ =	sdelay $0x1  }
0xe7: {  	s24 =	sand.u32 $0x3F0, s1  }
0xe8: {  	s1 =	sadd.s32 $0x10, s1;
	[tilespmem:s24+$0x18C08] =	vst v0  }
0xe9: {  	s24 =	simm.s32 $0x0  }
0xea: {  	s1 =	simm.s32 $0x10;
	s24 =	sand.u32 $0x3F0, s24  }
.LBB2_13:
0xeb: {  	p2 =	sne.s32 s1, $0x270;
	[tilespmem:s24+$0x19008] =	vst v0;
	s24 =	smov.u32 s1;
	s1 =	sadd.s32 $0x10, s1  }
.Ltmp9:
0xec: {  	(pc) =	sbr.rel @p2 .LBB2_13-.Ltmp9, $2  }
0xed: {  	_ =	sdelay $0x2  }
0xee: {  	s24 =	sand.u32 $0x3F0, s24  }
.Ltmp10:
0xef: {  	(pc) =	sbr.rel @p0 .LBB2_21-.Ltmp10, $2  }
0xf0: {  	_ =	sdelay $0x2  }
0xf1: {  	[tilespmem:s24+$0x19008] =	vst v0;
	v8 =	vmov s0  }
0xf2: {  	p3 =	sne.s32 s16, $0x1  }
.Ltmp11:
0xf3: {  	_ = 	snop;
	(pc) =	sbr.rel @!p3 .LBB2_16-.Ltmp11, $3  }
0xf4: {  	_ =	sdelay $0x1  }
0xf5: {  	s1 =	simm.s32 $0x16608  }
0xf6: {  	s0 =	simm.s32 $0x0;
	p2 =	por $0x0, $0x0;
	v9 =	vld [tilespmem:s1+$0x0];
	s1 =	sadd.s32 $0xFFFFFFFF, s16  }
0xf7: {  	_ =	sdelay $0x3  }
0xf8: {  	v9 =	vsub.s32 v9, v8  }
0xf9: {  	vm0 =	vlt.u32 v9, $0x120000  }
0xfa: {  	v10 =	vsel vm0, $0x1, v5  }
0xfb: {  	(xrf0) =	vadd.scan.msk.s32 $0xffff, v10;
	_ =	sdelay $0x2  }
0xfc: {  	v10 =	vmov s0  }
0xfd: {  	v10 =	vadd.s32 $0xFFFFFFFF, v10  }
0xfe: {  	v10 =	vbroadcast v10, $0x0  }
0xff: {  	v11, _, _ =	vpop (xrf0)  }
0x100: {  	v10 =	vadd.s32 v10, v11;
	(v2sf) =	vpush v11, $0xF  }
0x101: {  	v10 =	vsel vm0, v10, v7  }
0x102: {  	p3 =	sne.s32 s1, $0x1  }
.Ltmp12:
0x103: {  	_ = 	snop;
	(pc) =	sbr.rel @!p3 .LBB2_18-.Ltmp12, $4  }
0x104: {  	_ = 	snop  }
0x105: {  	v9 =	vsel vm0, v9, v0  }
0x106: {  	s24 =	simm.s32 $0x16618;
	[tilespmem:v10+s20+$0x0] =	vst.idx.msk $0xffff, v9  }
0x107: {  	s25 =	sadd.s32 $0xFFFFFFFF, s1;
	p2 =	por $0x1, $0x1;
	s1 =	simm.s32 $0x0;
	v9 =	vld [tilespmem:s24+$0x0]  }
.LBB2_19:
0x108: {  	p3 =	sne.s32 s25, $0x1;
	_ =	sdelay $0x3  }
0x109: {  	v9 =	vsub.s32 v9, v8  }
0x10a: {  	vm0 =	vlt.u32 v9, $0x120000  }
0x10b: {  	v10 =	vsel vm0, $0x1, v5;
	v9 =	vsel vm0, v9, v0  }
0x10c: {  	(xrf0) =	vadd.scan.msk.s32 $0xffff, v10;
	s26 =	spop (v2sf)  }
0x10d: {  	s1 =	sadd.s32 s1, s26  }
0x10e: {  	v10 =	vmov s1  }
0x10f: {  	v10 =	vadd.s32 $0xFFFFFFFF, v10  }
0x110: {  	v10 =	vbroadcast v10, $0x0;
	_ =	sdelay $0x1  }
0x111: {  	v11, _, _ =	vpop (xrf0)  }
0x112: {  	v10 =	vadd.s32 v10, v11;
	(v2sf) =	vpush v11, $0xF  }
0x113: {  	v10 =	vsel vm0, v10, v7;
	_ =	sdelay $0x1  }
.Ltmp13:
0x114: {  	(pc) =	sbr.rel @p3 .LBB2_19-.Ltmp13, $3  }
0x115: {  	_ =	sdelay $0x1  }
0x116: {  	s24 =	sadd.s32 $0x10, s24;
	[tilespmem:v10+s20+$0x0] =	vst.idx.msk $0xffff, v9  }
0x117: {  	s25 =	sadd.s32 $0xFFFFFFFF, s25;
	v9 =	vld [tilespmem:s24+$0x0]  }
.LBB2_20:
0x118: {  	_ =	sdelay $0x3  }
0x119: {  	v9 =	vsub.s32 v9, v8  }
0x11a: {  	vm0 =	vlt.u32 v9, $0x120000  }
0x11b: {  	v10 =	vsel vm0, $0x1, v5  }
0x11c: {  	(xrf0) =	vadd.scan.msk.s32 $0xffff, v10;
	_ =	sdelay $0x5  }
0x11d: {  	v10, _, _ =	vpop (xrf0)  }
0x11e: {  	(v2sf) =	vpush v10, $0xF;
	_ =	sdelay $0x1  }
0x11f: {  	s24 =	spop @p2 (v2sf)  }
0x120: {  	s1 =	sadd.s32 @p2 s1, s24  }
0x121: {  	s0 =	smov.u32 @p2 s1  }
0x122: {  	v11 =	vmov s0  }
0x123: {  	v11 =	vadd.s32 $0xFFFFFFFF, v11  }
0x124: {  	v11 =	vbroadcast v11, $0x0;
	_ =	sdelay $0x1  }
0x125: {  	v10 =	vadd.s32 v11, v10  }
0x126: {  	v10 =	vsel vm0, v10, v7;
	_ =	sdelay $0x3  }
0x127: {  	v9 =	vsel vm0, v9, v0  }
0x128: {  	[tilespmem:v10+s20+$0x0] =	vst.idx.msk $0xffff, v9;
	s26 =	spop (v2sf)  }
.LBB2_21:
.Ltmp14:
0x129: {  	(pc) =	sbr.rel @p1 .LBB2_28-.Ltmp14, $1  }
0x12a: {  	_ =	sdelay $0x3  }
0x12b: {  	s1 =	simm.s32 $0x17908;
	p3 =	sne.s32 s13, $0x1  }
.Ltmp15:
0x12c: {  	v9 =	vld [tilespmem:s1+$0x0];
	(pc) =	sbr.rel @!p3 .LBB2_23-.Ltmp15, $2  }
0x12d: {  	_ =	sdelay $0x2  }
0x12e: {  	s0 =	simm.s32 $0x0;
	p2 =	por $0x0, $0x0;
	s1 =	sadd.s32 $0xFFFFFFFF, s13  }
0x12f: {  	v9 =	vsub.s32 v9, v8  }
0x130: {  	vm0 =	vlt.u32 v9, $0x120000  }
0x131: {  	v10 =	vsel vm0, $0x1, v5  }
0x132: {  	(xrf0) =	vadd.scan.msk.s32 $0xffff, v10;
	_ =	sdelay $0x2  }
0x133: {  	v10 =	vmov s0  }
0x134: {  	v10 =	vadd.s32 $0xFFFFFFFF, v10  }
0x135: {  	v10 =	vbroadcast v10, $0x0  }
0x136: {  	v11, _, _ =	vpop (xrf0)  }
0x137: {  	v10 =	vadd.s32 v10, v11  }
0x138: {  	v10 =	vsel vm0, v10, v7;
	_ =	sdelay $0x2  }
0x139: {  	(v2sf) =	vpush v11, $0xF  }
0x13a: {  	v9 =	vsel vm0, v9, v0  }
0x13b: {  	p3 =	sne.s32 s1, $0x1;
	s24 =	simm.s32 $0x17918;
	[tilespmem:v10+s21+$0x0] =	vst.idx.msk $0xffff, v9  }
.Ltmp16:
0x13c: {  	v9 =	vld [tilespmem:s24+$0x0];
	(pc) =	sbr.rel @!p3 .LBB2_25-.Ltmp16, $2  }
0x13d: {  	_ =	sdelay $0x2  }
0x13e: {  	s25 =	sadd.s32 $0xFFFFFFFF, s1;
	p2 =	por $0x1, $0x1;
	s1 =	simm.s32 $0x0  }
.LBB2_26:
0x13f: {  	p3 =	sne.s32 s25, $0x1;
	_ =	sdelay $0x3  }
0x140: {  	v9 =	vsub.s32 v9, v8  }
0x141: {  	vm0 =	vlt.u32 v9, $0x120000  }
0x142: {  	v10 =	vsel vm0, $0x1, v5;
	v9 =	vsel vm0, v9, v0  }
0x143: {  	(xrf0) =	vadd.scan.msk.s32 $0xffff, v10;
	s26 =	spop (v2sf)  }
0x144: {  	s1 =	sadd.s32 s1, s26  }
0x145: {  	v10 =	vmov s1  }
0x146: {  	v10 =	vadd.s32 $0xFFFFFFFF, v10  }
0x147: {  	v10 =	vbroadcast v10, $0x0;
	_ =	sdelay $0x1  }
0x148: {  	v11, _, _ =	vpop (xrf0)  }
0x149: {  	v10 =	vadd.s32 v10, v11;
	(v2sf) =	vpush v11, $0xF  }
0x14a: {  	v10 =	vsel vm0, v10, v7;
	_ =	sdelay $0x1  }
.Ltmp17:
0x14b: {  	(pc) =	sbr.rel @p3 .LBB2_26-.Ltmp17, $3  }
0x14c: {  	_ =	sdelay $0x1  }
0x14d: {  	s24 =	sadd.s32 $0x10, s24;
	[tilespmem:v10+s21+$0x0] =	vst.idx.msk $0xffff, v9  }
0x14e: {  	s25 =	sadd.s32 $0xFFFFFFFF, s25;
	v9 =	vld [tilespmem:s24+$0x0]  }
.Ltmp18:
0x14f: {  	_ = 	snop;
	(pc) =	sbr.rel .LBB2_27-.Ltmp18, $1  }
0x150: {  	_ =	sdelay $0x3  }
.LBB2_16:
.Ltmp19:
0x151: {  	(pc) =	sbr.rel .LBB2_20-.Ltmp19, $2  }
0x152: {  	_ =	sdelay $0x2  }
0x153: {  	s1 =	simm.s32 $0x0  }
.LBB2_18:
.Ltmp20:
0x154: {  	(pc) =	sbr.rel .LBB2_20-.Ltmp20, $2  }
0x155: {  	_ =	sdelay $0x2  }
0x156: {  	s1 =	simm.s32 $0x0  }
.LBB2_25:
.Ltmp21:
0x157: {  	(pc) =	sbr.rel .LBB2_27-.Ltmp21, $2  }
0x158: {  	_ =	sdelay $0x2  }
0x159: {  	s1 =	simm.s32 $0x0  }
.LBB2_30:
0x15a: {  	_ =	sfence.sel $0x180000  }
0x15b: {  	[bflag:$0x0] =	sbarrier.arrive $0xFFFF  }
0x15c: {  	_ =	strace $0x90000047  }
0x15d: {  	s0 =	stileid.u32;
	[bflag:$0x2] =	sbarrier.arrive $0xFFFF  }
0x15e: {  	p0 =	sne.s32 s0, $0x0;
	s0 =	rddreg [dreg:$0x3]  }
0x15f: {  	s0 =	sadd.s32 @!p0 $0x100000, s0  }
0x160: {  	[sflag:s0] =	ssyncadd.tile.s32 @!p0 $0x1;
	_ =	shalt  }
.Lfunc_end2:
_tile_overlayer_lowered:
.L_overlay_start_2:
0x161: {  	(tag) =	ssettag $0x2  }
0x162: {  	s0 =	rddreg [dreg:$0x0];
	s2 =	stileid.u32  }
0x163: {  	s1 =	rddreg [dreg:$0x1];
	p0 =	sne.s32 s2, $0x0  }
0x164: {  	s3 =	rddreg [dreg:$0x2];
	[bflag:$0x3] =	sbarrier.arrive $0xFFFF;
	s2 =	simm.s32 @!p0 $0x1C03  }
0x165: {  	[timem:s3], [sflag:s2] =	dma.local @!p0 [hbm:s0], s1  }
0x166: {  	s0 =	simm.s32 @!p0 $0x3  }
0x167: {  	_ =	swait.ge @!p0 [sflag:s0], s1  }
0x168: {  	s1 =	ssub.s32 @!p0 $0x0, s1;
	[sflag:s0] =	ssyncset.done @!p0 $0x0  }
0x169: {  	[sflag:s0] =	ssyncadd.s32 @!p0 s1  }
0x16a: {  	[bflag:$0x3] =	sbarrier.arrive $0xFFFF  }
0x16b: {  	_ =	shalt  }

</sc_bundles>
